<compile_context>
chip_gen: v7x
topology: tpu7x:2x2x1
jax: 0.10.2.dev20260603
libtpu: 0.0.44.dev20260713+nightly
codegen_flags: <defaults>
</compile_context>

<pallas_src>
import functools

import jax
import jax.numpy as jnp
from jax import lax
from jax.experimental import pallas as pl
from jax.experimental.pallas import tpu as pltpu
from jax.experimental.pallas import tpu_sc as plsc

B = 16384
J_IN = 144
J_OUT = 118
C = 3
W = 512
J_PAD = 120

NUM_WORKERS = 32
N_CHUNKS = B // W
N_UNITS = C * N_CHUNKS
UNITS_PER_W = N_UNITS // NUM_WORKERS
N_BUF = 2


def _sc_rowgather(table, ridx_pad):
    mesh = plsc.VectorSubcoreMesh(core_axis_name="c", subcore_axis_name="s")

    @functools.partial(
        pl.kernel,
        out_type=jax.ShapeDtypeStruct((C, J_PAD, B), jnp.float32),
        mesh=mesh,
        compiler_params=pltpu.CompilerParams(
            needs_layout_passes=False, skip_device_barrier=True
        ),
        scratch_types=[
            pltpu.VMEM((C, J_PAD), jnp.int32),
            pltpu.VMEM((J_PAD, W), jnp.float32),
            pltpu.VMEM((J_PAD, W), jnp.float32),
            pltpu.SemaphoreType.DMA,
            pltpu.SemaphoreType.DMA,
        ],
    )
    def k(in_hbm, ridx_hbm, out_hbm, ridx_v, g0, g1, sem_g, sem_o):
        wid = lax.axis_index("s") * 2 + lax.axis_index("c")
        pltpu.sync_copy(ridx_hbm, ridx_v)
        gbuf = (g0, g1)

        def unit_cw(u):
            uid = wid + NUM_WORKERS * u
            return uid // N_CHUNKS, (uid % N_CHUNKS) * W

        def start_gather(u):
            c, w0 = unit_cw(u)
            return pltpu.async_copy(
                in_hbm.at[ridx_v.at[c], pl.ds(w0, W)], gbuf[u % N_BUF], sem_g
            )

        def start_out(u):
            c, w0 = unit_cw(u)
            return pltpu.async_copy(
                gbuf[u % N_BUF], out_hbm.at[c, :, pl.ds(w0, W)], sem_o
            )

        d_g = {0: start_gather(0)}
        d_out = {}
        for u in range(UNITS_PER_W):
            if u >= 1:
                d_out[u - 1].wait()
            if u + 1 < UNITS_PER_W:
                d_g[u + 1] = start_gather(u + 1)
            d_g[u].wait()
            d_out[u] = start_out(u)
        d_out[UNITS_PER_W - 1].wait()

    return k(table, ridx_pad)


def kernel(joints, joint_maps):
    tin = jnp.transpose(joints, (2, 1, 0)).reshape(C * J_IN, B)
    ridx = joint_maps.astype(jnp.int32)[None, :] + (
        jnp.arange(C, dtype=jnp.int32) * J_IN
    )[:, None]
    ridx_pad = jnp.concatenate(
        [ridx, ridx[:, -1:], ridx[:, -1:]], axis=1
    )
    tout = _sc_rowgather(tin, ridx_pad)
    return jnp.transpose(tout, (2, 1, 0))[:, :J_OUT, :]

# --- scband reference (transcript-rebuilt; emitter-appended) ---
"""Pipeline reference for scband-joint-mapper-87265145520489 (READ-ONLY COPY).

The authoritative reference and input builder live on the scoring server;
editing this copy changes nothing except your own understanding.
"""

import jax, jax.numpy as jnp
import numpy as np


def setup_inputs(seed: int = 0) -> dict:
    key = jax.random.key(seed)
    joints = jax.random.normal(key, (16384, 144, 3), dtype=jnp.float32)
    # buffer from init_kwargs: select 118 of 144 joints (reverse-order mapping)
    joint_maps = jnp.array(list(range(117, -1, -1)), dtype=jnp.int32)
    return {"joints": joints, "joint_maps": joint_maps}


def reference(joints, joint_maps):
    # torch.index_select(joints, 1, joint_maps) -> gather along axis 1
    return jnp.take(joints, joint_maps, axis=1)

if __name__ == "__main__":
    import jax
    _d = setup_inputs()
    print(jax.jit(kernel)(*tuple(_d.values())))

</pallas_src>

<mosaic_0001>
#map = affine_map<(d0, d1) -> (0, 0)>
#map1 = affine_map<(d0, d1) -> (0, 0, 0)>
module attributes {stable_mosaic.version = 14 : i64} {
  func.func @k(%arg0: i32, %arg1: i32, %arg2: memref<432x16384xf32, #tpu.memory_space<hbm>>, %arg3: memref<3x120xi32, #tpu.memory_space<hbm>>, %arg4: memref<3x120x16384xf32, #tpu.memory_space<hbm>>, %arg5: memref<3x120xi32, #tpu.memory_space<vmem>>, %arg6: memref<120x512xf32, #tpu.memory_space<vmem>>, %arg7: memref<120x512xf32, #tpu.memory_space<vmem>>, %arg8: memref<!tpu.dma_semaphore, #tpu.memory_space<semaphore_mem>>, %arg9: memref<!tpu.dma_semaphore, #tpu.memory_space<semaphore_mem>>) attributes {dimension_semantics = [#tpu.dimension_semantics<core_parallel>, #tpu.dimension_semantics<subcore_parallel>], iteration_bounds = array<i64: 2, 16>, scalar_prefetch = 0 : i64, scratch_operands = 5 : i64, tpu.core_type = #tpu.core_type<sc_vector_subcore>, window_params = [{transform_indices = #map}, {transform_indices = #map}, {transform_indices = #map1}]} {
    %mul3A = arith.constant 2 : i32
    %mul3A_0 = arith.muli %arg1, %mul3A : i32
    %add3A = arith.addi %mul3A_0, %arg0 : i32
    "tpu.region"() ({
      %run_scoped3A = tpu.sem_alloc : memref<!tpu.dma_semaphore, #tpu.memory_space<semaphore_mem>>
      tpu.enqueue_dma source(%arg3 : memref<3x120xi32, #tpu.memory_space<hbm>>) target(%arg5 : memref<3x120xi32, #tpu.memory_space<vmem>>) target_semaphore(%run_scoped3A : memref<!tpu.dma_semaphore, #tpu.memory_space<semaphore_mem>>)
      tpu.wait_dma2 semaphore(%run_scoped3A : memref<!tpu.dma_semaphore, #tpu.memory_space<semaphore_mem>>) src(%arg3 : memref<3x120xi32, #tpu.memory_space<hbm>>) dst(%arg5 : memref<3x120xi32, #tpu.memory_space<vmem>>)
      tpu.yield
    }) : () -> ()
    %add3A_1 = arith.constant 0 : i32
    %add3A_2 = arith.addi %add3A, %add3A_1 : i32
    %jit3A = arith.constant 32 : i32
    %div3A = arith.divsi %add3A_2, %jit3A : i32
    %sign3A = arith.constant 0 : i32
    %sign3A_3 = arith.cmpi sgt, %add3A_2, %sign3A : i32
    %sign3A_4 = arith.extui %sign3A_3 : i1 to i32
    %sign3A_5 = arith.constant 0 : i32
    %sign3A_6 = arith.cmpi slt, %add3A_2, %sign3A_5 : i32
    %sign3A_7 = arith.extui %sign3A_6 : i1 to i32
    %sign3A_8 = arith.subi %sign3A_4, %sign3A_7 : i32
    %sign3A_9 = arith.constant 0 : i32
    %sign3A_10 = arith.cmpi sgt, %jit3A, %sign3A_9 : i32
    %sign3A_11 = arith.extui %sign3A_10 : i1 to i32
    %sign3A_12 = arith.constant 0 : i32
    %sign3A_13 = arith.cmpi slt, %jit3A, %sign3A_12 : i32
    %sign3A_14 = arith.extui %sign3A_13 : i1 to i32
    %sign3A_15 = arith.subi %sign3A_11, %sign3A_14 : i32
    %ne3A = arith.cmpi ne, %sign3A_8, %sign3A_15 : i32
    %rem3A = arith.remsi %add3A_2, %jit3A : i32
    %ne3A_16 = arith.constant 0 : i32
    %ne3A_17 = arith.cmpi ne, %rem3A, %ne3A_16 : i32
    %and3A = arith.andi %ne3A, %ne3A_17 : i1
    %sub3A = arith.constant 1 : i32
    %sub3A_18 = arith.subi %div3A, %sub3A : i32
    %select_n3A = arith.select %and3A, %sub3A_18, %div3A : i32
    %jit3A_19 = arith.constant 32 : i32
    %eq3A = arith.constant 0 : i32
    %eq3A_20 = arith.cmpi eq, %jit3A_19, %eq3A : i32
    %jit3A_21 = arith.constant 1 : i32
    %select_n3A_22 = arith.select %eq3A_20, %jit3A_21, %jit3A_19 : i32
    %rem3A_23 = arith.remsi %add3A_2, %select_n3A_22 : i32
    %ne3A_24 = arith.constant 0 : i32
    %ne3A_25 = arith.cmpi ne, %rem3A_23, %ne3A_24 : i32
    %lt3A = arith.constant 0 : i32
    %lt3A_26 = arith.cmpi slt, %rem3A_23, %lt3A : i32
    %lt3A_27 = arith.constant 0 : i32
    %lt3A_28 = arith.cmpi slt, %select_n3A_22, %lt3A_27 : i32
    %ne3A_29 = arith.xori %lt3A_26, %lt3A_28 : i1
    %and3A_30 = arith.andi %ne3A_29, %ne3A_25 : i1
    %add3A_31 = arith.addi %rem3A_23, %select_n3A_22 : i32
    %select_n3A_32 = arith.select %and3A_30, %add3A_31, %rem3A_23 : i32
    %mul3A_33 = arith.constant 512 : i32
    %mul3A_34 = arith.muli %select_n3A_32, %mul3A_33 : i32
    %dma_start3A = arith.constant 0 : i32
    %dma_start3A_35 = tpu.memref_slice %arg5[%select_n3A, %dma_start3A] : memref<3x120xi32, #tpu.memory_space<vmem>> -> memref<1x120xi32, #tpu.memory_space<vmem>>
    %dma_start3A_36 = tpu.memref_squeeze %dma_start3A_35 : memref<1x120xi32, #tpu.memory_space<vmem>> -> memref<120xi32, #tpu.memory_space<vmem>>
    %dma_start3A_37 = arith.constant 0 : i32
    %dma_start3A_38 = tpu.memref_slice %arg2[%dma_start3A_37, %mul3A_34] : memref<432x16384xf32, #tpu.memory_space<hbm>> -> memref<432x512xf32, #tpu.memory_space<hbm>>
    tpu.enqueue_indirect_dma source(%dma_start3A_38 : memref<432x512xf32, #tpu.memory_space<hbm>>) target(%arg6 : memref<120x512xf32, #tpu.memory_space<vmem>>) offsets(%dma_start3A_36 : memref<120xi32, #tpu.memory_space<vmem>>) semaphore(%arg8 : memref<!tpu.dma_semaphore, #tpu.memory_space<semaphore_mem>>)
    %add3A_39 = arith.constant 32 : i32
    %add3A_40 = arith.addi %add3A, %add3A_39 : i32
    %jit3A_41 = arith.constant 32 : i32
    %div3A_42 = arith.divsi %add3A_40, %jit3A_41 : i32
    %sign3A_43 = arith.constant 0 : i32
    %sign3A_44 = arith.cmpi sgt, %add3A_40, %sign3A_43 : i32
    %sign3A_45 = arith.extui %sign3A_44 : i1 to i32
    %sign3A_46 = arith.constant 0 : i32
    %sign3A_47 = arith.cmpi slt, %add3A_40, %sign3A_46 : i32
    %sign3A_48 = arith.extui %sign3A_47 : i1 to i32
    %sign3A_49 = arith.subi %sign3A_45, %sign3A_48 : i32
    %sign3A_50 = arith.constant 0 : i32
    %sign3A_51 = arith.cmpi sgt, %jit3A_41, %sign3A_50 : i32
    %sign3A_52 = arith.extui %sign3A_51 : i1 to i32
    %sign3A_53 = arith.constant 0 : i32
    %sign3A_54 = arith.cmpi slt, %jit3A_41, %sign3A_53 : i32
    %sign3A_55 = arith.extui %sign3A_54 : i1 to i32
    %sign3A_56 = arith.subi %sign3A_52, %sign3A_55 : i32
    %ne3A_57 = arith.cmpi ne, %sign3A_49, %sign3A_56 : i32
    %rem3A_58 = arith.remsi %add3A_40, %jit3A_41 : i32
    %ne3A_59 = arith.constant 0 : i32
    %ne3A_60 = arith.cmpi ne, %rem3A_58, %ne3A_59 : i32
    %and3A_61 = arith.andi %ne3A_57, %ne3A_60 : i1
    %sub3A_62 = arith.constant 1 : i32
    %sub3A_63 = arith.subi %div3A_42, %sub3A_62 : i32
    %select_n3A_64 = arith.select %and3A_61, %sub3A_63, %div3A_42 : i32
    %jit3A_65 = arith.constant 32 : i32
    %eq3A_66 = arith.constant 0 : i32
    %eq3A_67 = arith.cmpi eq, %jit3A_65, %eq3A_66 : i32
    %jit3A_68 = arith.constant 1 : i32
    %select_n3A_69 = arith.select %eq3A_67, %jit3A_68, %jit3A_65 : i32
    %rem3A_70 = arith.remsi %add3A_40, %select_n3A_69 : i32
    %ne3A_71 = arith.constant 0 : i32
    %ne3A_72 = arith.cmpi ne, %rem3A_70, %ne3A_71 : i32
    %lt3A_73 = arith.constant 0 : i32
    %lt3A_74 = arith.cmpi slt, %rem3A_70, %lt3A_73 : i32
    %lt3A_75 = arith.constant 0 : i32
    %lt3A_76 = arith.cmpi slt, %select_n3A_69, %lt3A_75 : i32
    %ne3A_77 = arith.xori %lt3A_74, %lt3A_76 : i1
    %and3A_78 = arith.andi %ne3A_77, %ne3A_72 : i1
    %add3A_79 = arith.addi %rem3A_70, %select_n3A_69 : i32
    %select_n3A_80 = arith.select %and3A_78, %add3A_79, %rem3A_70 : i32
    %mul3A_81 = arith.constant 512 : i32
    %mul3A_82 = arith.muli %select_n3A_80, %mul3A_81 : i32
    %dma_start3A_83 = arith.constant 0 : i32
    %dma_start3A_84 = tpu.memref_slice %arg5[%select_n3A_64, %dma_start3A_83] : memref<3x120xi32, #tpu.memory_space<vmem>> -> memref<1x120xi32, #tpu.memory_space<vmem>>
    %dma_start3A_85 = tpu.memref_squeeze %dma_start3A_84 : memref<1x120xi32, #tpu.memory_space<vmem>> -> memref<120xi32, #tpu.memory_space<vmem>>
    %dma_start3A_86 = arith.constant 0 : i32
    %dma_start3A_87 = tpu.memref_slice %arg2[%dma_start3A_86, %mul3A_82] : memref<432x16384xf32, #tpu.memory_space<hbm>> -> memref<432x512xf32, #tpu.memory_space<hbm>>
    tpu.enqueue_indirect_dma source(%dma_start3A_87 : memref<432x512xf32, #tpu.memory_space<hbm>>) target(%arg7 : memref<120x512xf32, #tpu.memory_space<vmem>>) offsets(%dma_start3A_85 : memref<120xi32, #tpu.memory_space<vmem>>) semaphore(%arg8 : memref<!tpu.dma_semaphore, #tpu.memory_space<semaphore_mem>>)
    %dma_wait3A = arith.constant 0 : i32
    %dma_wait3A_88 = tpu.memref_slice %arg5[%select_n3A, %dma_wait3A] : memref<3x120xi32, #tpu.memory_space<vmem>> -> memref<1x120xi32, #tpu.memory_space<vmem>>
    %dma_wait3A_89 = tpu.memref_squeeze %dma_wait3A_88 : memref<1x120xi32, #tpu.memory_space<vmem>> -> memref<120xi32, #tpu.memory_space<vmem>>
    %dma_wait3A_90 = arith.constant 0 : i32
    %dma_wait3A_91 = tpu.memref_slice %arg2[%dma_wait3A_90, %mul3A_34] : memref<432x16384xf32, #tpu.memory_space<hbm>> -> memref<432x512xf32, #tpu.memory_space<hbm>>
    tpu.wait_indirect_dma semaphore(%arg8 : memref<!tpu.dma_semaphore, #tpu.memory_space<semaphore_mem>>) src(%dma_wait3A_91 : memref<432x512xf32, #tpu.memory_space<hbm>>) dst(%arg6 : memref<120x512xf32, #tpu.memory_space<vmem>>)
    %add3A_92 = arith.constant 0 : i32
    %add3A_93 = arith.addi %add3A, %add3A_92 : i32
    %jit3A_94 = arith.constant 32 : i32
    %div3A_95 = arith.divsi %add3A_93, %jit3A_94 : i32
    %sign3A_96 = arith.constant 0 : i32
    %sign3A_97 = arith.cmpi sgt, %add3A_93, %sign3A_96 : i32
    %sign3A_98 = arith.extui %sign3A_97 : i1 to i32
    %sign3A_99 = arith.constant 0 : i32
    %sign3A_100 = arith.cmpi slt, %add3A_93, %sign3A_99 : i32
    %sign3A_101 = arith.extui %sign3A_100 : i1 to i32
    %sign3A_102 = arith.subi %sign3A_98, %sign3A_101 : i32
    %sign3A_103 = arith.constant 0 : i32
    %sign3A_104 = arith.cmpi sgt, %jit3A_94, %sign3A_103 : i32
    %sign3A_105 = arith.extui %sign3A_104 : i1 to i32
    %sign3A_106 = arith.constant 0 : i32
    %sign3A_107 = arith.cmpi slt, %jit3A_94, %sign3A_106 : i32
    %sign3A_108 = arith.extui %sign3A_107 : i1 to i32
    %sign3A_109 = arith.subi %sign3A_105, %sign3A_108 : i32
    %ne3A_110 = arith.cmpi ne, %sign3A_102, %sign3A_109 : i32
    %rem3A_111 = arith.remsi %add3A_93, %jit3A_94 : i32
    %ne3A_112 = arith.constant 0 : i32
    %ne3A_113 = arith.cmpi ne, %rem3A_111, %ne3A_112 : i32
    %and3A_114 = arith.andi %ne3A_110, %ne3A_113 : i1
    %sub3A_115 = arith.constant 1 : i32
    %sub3A_116 = arith.subi %div3A_95, %sub3A_115 : i32
    %select_n3A_117 = arith.select %and3A_114, %sub3A_116, %div3A_95 : i32
    %jit3A_118 = arith.constant 32 : i32
    %eq3A_119 = arith.constant 0 : i32
    %eq3A_120 = arith.cmpi eq, %jit3A_118, %eq3A_119 : i32
    %jit3A_121 = arith.constant 1 : i32
    %select_n3A_122 = arith.select %eq3A_120, %jit3A_121, %jit3A_118 : i32
    %rem3A_123 = arith.remsi %add3A_93, %select_n3A_122 : i32
    %ne3A_124 = arith.constant 0 : i32
    %ne3A_125 = arith.cmpi ne, %rem3A_123, %ne3A_124 : i32
    %lt3A_126 = arith.constant 0 : i32
    %lt3A_127 = arith.cmpi slt, %rem3A_123, %lt3A_126 : i32
    %lt3A_128 = arith.constant 0 : i32
    %lt3A_129 = arith.cmpi slt, %select_n3A_122, %lt3A_128 : i32
    %ne3A_130 = arith.xori %lt3A_127, %lt3A_129 : i1
    %and3A_131 = arith.andi %ne3A_130, %ne3A_125 : i1
    %add3A_132 = arith.addi %rem3A_123, %select_n3A_122 : i32
    %select_n3A_133 = arith.select %and3A_131, %add3A_132, %rem3A_123 : i32
    %mul3A_134 = arith.constant 512 : i32
    %mul3A_135 = arith.muli %select_n3A_133, %mul3A_134 : i32
    %dma_start3A_136 = arith.constant 0 : i32
    %dma_start3A_137 = tpu.memref_slice %arg4[%select_n3A_117, %dma_start3A_136, %mul3A_135] : memref<3x120x16384xf32, #tpu.memory_space<hbm>> -> memref<1x120x512xf32, #tpu.memory_space<hbm>>
    %dma_start3A_138 = tpu.memref_squeeze %dma_start3A_137 : memref<1x120x512xf32, #tpu.memory_space<hbm>> -> memref<120x512xf32, #tpu.memory_space<hbm>>
    %dma_start3A_139 = arith.constant 0 : i32
    %dma_start3A_140 = tpu.memref_slice %arg4[%select_n3A_117, %dma_start3A_139, %mul3A_135] : memref<3x120x16384xf32, #tpu.memory_space<hbm>> -> memref<1x120x512xf32, #tpu.memory_space<hbm>>
    %dma_start3A_141 = tpu.memref_squeeze %dma_start3A_140 : memref<1x120x512xf32, #tpu.memory_space<hbm>> -> memref<120x512xf32, #tpu.memory_space<hbm>>
    tpu.enqueue_dma source(%arg6 : memref<120x512xf32, #tpu.memory_space<vmem>>) target(%dma_start3A_141 : memref<120x512xf32, #tpu.memory_space<hbm>>) target_semaphore(%arg9 : memref<!tpu.dma_semaphore, #tpu.memory_space<semaphore_mem>>)
    %dma_wait3A_142 = arith.constant 0 : i32
    %dma_wait3A_143 = tpu.memref_slice %arg4[%select_n3A_117, %dma_wait3A_142, %mul3A_135] : memref<3x120x16384xf32, #tpu.memory_space<hbm>> -> memref<1x120x512xf32, #tpu.memory_space<hbm>>
    %dma_wait3A_144 = tpu.memref_squeeze %dma_wait3A_143 : memref<1x120x512xf32, #tpu.memory_space<hbm>> -> memref<120x512xf32, #tpu.memory_space<hbm>>
    %dma_wait3A_145 = arith.constant 0 : i32
    %dma_wait3A_146 = tpu.memref_slice %arg4[%select_n3A_117, %dma_wait3A_145, %mul3A_135] : memref<3x120x16384xf32, #tpu.memory_space<hbm>> -> memref<1x120x512xf32, #tpu.memory_space<hbm>>
    %dma_wait3A_147 = tpu.memref_squeeze %dma_wait3A_146 : memref<1x120x512xf32, #tpu.memory_space<hbm>> -> memref<120x512xf32, #tpu.memory_space<hbm>>
    tpu.wait_dma2 semaphore(%arg9 : memref<!tpu.dma_semaphore, #tpu.memory_space<semaphore_mem>>) src(%arg6 : memref<120x512xf32, #tpu.memory_space<vmem>>) dst(%dma_wait3A_147 : memref<120x512xf32, #tpu.memory_space<hbm>>)
    %add3A_148 = arith.constant 64 : i32
    %add3A_149 = arith.addi %add3A, %add3A_148 : i32
    %jit3A_150 = arith.constant 32 : i32
    %div3A_151 = arith.divsi %add3A_149, %jit3A_150 : i32
    %sign3A_152 = arith.constant 0 : i32
    %sign3A_153 = arith.cmpi sgt, %add3A_149, %sign3A_152 : i32
    %sign3A_154 = arith.extui %sign3A_153 : i1 to i32
    %sign3A_155 = arith.constant 0 : i32
    %sign3A_156 = arith.cmpi slt, %add3A_149, %sign3A_155 : i32
    %sign3A_157 = arith.extui %sign3A_156 : i1 to i32
    %sign3A_158 = arith.subi %sign3A_154, %sign3A_157 : i32
    %sign3A_159 = arith.constant 0 : i32
    %sign3A_160 = arith.cmpi sgt, %jit3A_150, %sign3A_159 : i32
    %sign3A_161 = arith.extui %sign3A_160 : i1 to i32
    %sign3A_162 = arith.constant 0 : i32
    %sign3A_163 = arith.cmpi slt, %jit3A_150, %sign3A_162 : i32
    %sign3A_164 = arith.extui %sign3A_163 : i1 to i32
    %sign3A_165 = arith.subi %sign3A_161, %sign3A_164 : i32
    %ne3A_166 = arith.cmpi ne, %sign3A_158, %sign3A_165 : i32
    %rem3A_167 = arith.remsi %add3A_149, %jit3A_150 : i32
    %ne3A_168 = arith.constant 0 : i32
    %ne3A_169 = arith.cmpi ne, %rem3A_167, %ne3A_168 : i32
    %and3A_170 = arith.andi %ne3A_166, %ne3A_169 : i1
    %sub3A_171 = arith.constant 1 : i32
    %sub3A_172 = arith.subi %div3A_151, %sub3A_171 : i32
    %select_n3A_173 = arith.select %and3A_170, %sub3A_172, %div3A_151 : i32
    %jit3A_174 = arith.constant 32 : i32
    %eq3A_175 = arith.constant 0 : i32
    %eq3A_176 = arith.cmpi eq, %jit3A_174, %eq3A_175 : i32
    %jit3A_177 = arith.constant 1 : i32
    %select_n3A_178 = arith.select %eq3A_176, %jit3A_177, %jit3A_174 : i32
    %rem3A_179 = arith.remsi %add3A_149, %select_n3A_178 : i32
    %ne3A_180 = arith.constant 0 : i32
    %ne3A_181 = arith.cmpi ne, %rem3A_179, %ne3A_180 : i32
    %lt3A_182 = arith.constant 0 : i32
    %lt3A_183 = arith.cmpi slt, %rem3A_179, %lt3A_182 : i32
    %lt3A_184 = arith.constant 0 : i32
    %lt3A_185 = arith.cmpi slt, %select_n3A_178, %lt3A_184 : i32
    %ne3A_186 = arith.xori %lt3A_183, %lt3A_185 : i1
    %and3A_187 = arith.andi %ne3A_186, %ne3A_181 : i1
    %add3A_188 = arith.addi %rem3A_179, %select_n3A_178 : i32
    %select_n3A_189 = arith.select %and3A_187, %add3A_188, %rem3A_179 : i32
    %mul3A_190 = arith.constant 512 : i32
    %mul3A_191 = arith.muli %select_n3A_189, %mul3A_190 : i32
    %dma_start3A_192 = arith.constant 0 : i32
    %dma_start3A_193 = tpu.memref_slice %arg5[%select_n3A_173, %dma_start3A_192] : memref<3x120xi32, #tpu.memory_space<vmem>> -> memref<1x120xi32, #tpu.memory_space<vmem>>
    %dma_start3A_194 = tpu.memref_squeeze %dma_start3A_193 : memref<1x120xi32, #tpu.memory_space<vmem>> -> memref<120xi32, #tpu.memory_space<vmem>>
    %dma_start3A_195 = arith.constant 0 : i32
    %dma_start3A_196 = tpu.memref_slice %arg2[%dma_start3A_195, %mul3A_191] : memref<432x16384xf32, #tpu.memory_space<hbm>> -> memref<432x512xf32, #tpu.memory_space<hbm>>
    tpu.enqueue_indirect_dma source(%dma_start3A_196 : memref<432x512xf32, #tpu.memory_space<hbm>>) target(%arg6 : memref<120x512xf32, #tpu.memory_space<vmem>>) offsets(%dma_start3A_194 : memref<120xi32, #tpu.memory_space<vmem>>) semaphore(%arg8 : memref<!tpu.dma_semaphore, #tpu.memory_space<semaphore_mem>>)
    %dma_wait3A_197 = arith.constant 0 : i32
    %dma_wait3A_198 = tpu.memref_slice %arg5[%select_n3A_64, %dma_wait3A_197] : memref<3x120xi32, #tpu.memory_space<vmem>> -> memref<1x120xi32, #tpu.memory_space<vmem>>
    %dma_wait3A_199 = tpu.memref_squeeze %dma_wait3A_198 : memref<1x120xi32, #tpu.memory_space<vmem>> -> memref<120xi32, #tpu.memory_space<vmem>>
    %dma_wait3A_200 = arith.constant 0 : i32
    %dma_wait3A_201 = tpu.memref_slice %arg2[%dma_wait3A_200, %mul3A_82] : memref<432x16384xf32, #tpu.memory_space<hbm>> -> memref<432x512xf32, #tpu.memory_space<hbm>>
    tpu.wait_indirect_dma semaphore(%arg8 : memref<!tpu.dma_semaphore, #tpu.memory_space<semaphore_mem>>) src(%dma_wait3A_201 : memref<432x512xf32, #tpu.memory_space<hbm>>) dst(%arg7 : memref<120x512xf32, #tpu.memory_space<vmem>>)
    %add3A_202 = arith.constant 32 : i32
    %add3A_203 = arith.addi %add3A, %add3A_202 : i32
    %jit3A_204 = arith.constant 32 : i32
    %div3A_205 = arith.divsi %add3A_203, %jit3A_204 : i32
    %sign3A_206 = arith.constant 0 : i32
    %sign3A_207 = arith.cmpi sgt, %add3A_203, %sign3A_206 : i32
    %sign3A_208 = arith.extui %sign3A_207 : i1 to i32
    %sign3A_209 = arith.constant 0 : i32
    %sign3A_210 = arith.cmpi slt, %add3A_203, %sign3A_209 : i32
    %sign3A_211 = arith.extui %sign3A_210 : i1 to i32
    %sign3A_212 = arith.subi %sign3A_208, %sign3A_211 : i32
    %sign3A_213 = arith.constant 0 : i32
    %sign3A_214 = arith.cmpi sgt, %jit3A_204, %sign3A_213 : i32
    %sign3A_215 = arith.extui %sign3A_214 : i1 to i32
    %sign3A_216 = arith.constant 0 : i32
    %sign3A_217 = arith.cmpi slt, %jit3A_204, %sign3A_216 : i32
    %sign3A_218 = arith.extui %sign3A_217 : i1 to i32
    %sign3A_219 = arith.subi %sign3A_215, %sign3A_218 : i32
    %ne3A_220 = arith.cmpi ne, %sign3A_212, %sign3A_219 : i32
    %rem3A_221 = arith.remsi %add3A_203, %jit3A_204 : i32
    %ne3A_222 = arith.constant 0 : i32
    %ne3A_223 = arith.cmpi ne, %rem3A_221, %ne3A_222 : i32
    %and3A_224 = arith.andi %ne3A_220, %ne3A_223 : i1
    %sub3A_225 = arith.constant 1 : i32
    %sub3A_226 = arith.subi %div3A_205, %sub3A_225 : i32
    %select_n3A_227 = arith.select %and3A_224, %sub3A_226, %div3A_205 : i32
    %jit3A_228 = arith.constant 32 : i32
    %eq3A_229 = arith.constant 0 : i32
    %eq3A_230 = arith.cmpi eq, %jit3A_228, %eq3A_229 : i32
    %jit3A_231 = arith.constant 1 : i32
    %select_n3A_232 = arith.select %eq3A_230, %jit3A_231, %jit3A_228 : i32
    %rem3A_233 = arith.remsi %add3A_203, %select_n3A_232 : i32
    %ne3A_234 = arith.constant 0 : i32
    %ne3A_235 = arith.cmpi ne, %rem3A_233, %ne3A_234 : i32
    %lt3A_236 = arith.constant 0 : i32
    %lt3A_237 = arith.cmpi slt, %rem3A_233, %lt3A_236 : i32
    %lt3A_238 = arith.constant 0 : i32
    %lt3A_239 = arith.cmpi slt, %select_n3A_232, %lt3A_238 : i32
    %ne3A_240 = arith.xori %lt3A_237, %lt3A_239 : i1
    %and3A_241 = arith.andi %ne3A_240, %ne3A_235 : i1
    %add3A_242 = arith.addi %rem3A_233, %select_n3A_232 : i32
    %select_n3A_243 = arith.select %and3A_241, %add3A_242, %rem3A_233 : i32
    %mul3A_244 = arith.constant 512 : i32
    %mul3A_245 = arith.muli %select_n3A_243, %mul3A_244 : i32
    %dma_start3A_246 = arith.constant 0 : i32
    %dma_start3A_247 = tpu.memref_slice %arg4[%select_n3A_227, %dma_start3A_246, %mul3A_245] : memref<3x120x16384xf32, #tpu.memory_space<hbm>> -> memref<1x120x512xf32, #tpu.memory_space<hbm>>
    %dma_start3A_248 = tpu.memref_squeeze %dma_start3A_247 : memref<1x120x512xf32, #tpu.memory_space<hbm>> -> memref<120x512xf32, #tpu.memory_space<hbm>>
    %dma_start3A_249 = arith.constant 0 : i32
    %dma_start3A_250 = tpu.memref_slice %arg4[%select_n3A_227, %dma_start3A_249, %mul3A_245] : memref<3x120x16384xf32, #tpu.memory_space<hbm>> -> memref<1x120x512xf32, #tpu.memory_space<hbm>>
    %dma_start3A_251 = tpu.memref_squeeze %dma_start3A_250 : memref<1x120x512xf32, #tpu.memory_space<hbm>> -> memref<120x512xf32, #tpu.memory_space<hbm>>
    tpu.enqueue_dma source(%arg7 : memref<120x512xf32, #tpu.memory_space<vmem>>) target(%dma_start3A_251 : memref<120x512xf32, #tpu.memory_space<hbm>>) target_semaphore(%arg9 : memref<!tpu.dma_semaphore, #tpu.memory_space<semaphore_mem>>)
    %dma_wait3A_252 = arith.constant 0 : i32
    %dma_wait3A_253 = tpu.memref_slice %arg4[%select_n3A_227, %dma_wait3A_252, %mul3A_245] : memref<3x120x16384xf32, #tpu.memory_space<hbm>> -> memref<1x120x512xf32, #tpu.memory_space<hbm>>
    %dma_wait3A_254 = tpu.memref_squeeze %dma_wait3A_253 : memref<1x120x512xf32, #tpu.memory_space<hbm>> -> memref<120x512xf32, #tpu.memory_space<hbm>>
    %dma_wait3A_255 = arith.constant 0 : i32
    %dma_wait3A_256 = tpu.memref_slice %arg4[%select_n3A_227, %dma_wait3A_255, %mul3A_245] : memref<3x120x16384xf32, #tpu.memory_space<hbm>> -> memref<1x120x512xf32, #tpu.memory_space<hbm>>
    %dma_wait3A_257 = tpu.memref_squeeze %dma_wait3A_256 : memref<1x120x512xf32, #tpu.memory_space<hbm>> -> memref<120x512xf32, #tpu.memory_space<hbm>>
    tpu.wait_dma2 semaphore(%arg9 : memref<!tpu.dma_semaphore, #tpu.memory_space<semaphore_mem>>) src(%arg7 : memref<120x512xf32, #tpu.memory_space<vmem>>) dst(%dma_wait3A_257 : memref<120x512xf32, #tpu.memory_space<hbm>>)
    %dma_wait3A_258 = arith.constant 0 : i32
    %dma_wait3A_259 = tpu.memref_slice %arg5[%select_n3A_173, %dma_wait3A_258] : memref<3x120xi32, #tpu.memory_space<vmem>> -> memref<1x120xi32, #tpu.memory_space<vmem>>
    %dma_wait3A_260 = tpu.memref_squeeze %dma_wait3A_259 : memref<1x120xi32, #tpu.memory_space<vmem>> -> memref<120xi32, #tpu.memory_space<vmem>>
    %dma_wait3A_261 = arith.constant 0 : i32
    %dma_wait3A_262 = tpu.memref_slice %arg2[%dma_wait3A_261, %mul3A_191] : memref<432x16384xf32, #tpu.memory_space<hbm>> -> memref<432x512xf32, #tpu.memory_space<hbm>>
    tpu.wait_indirect_dma semaphore(%arg8 : memref<!tpu.dma_semaphore, #tpu.memory_space<semaphore_mem>>) src(%dma_wait3A_262 : memref<432x512xf32, #tpu.memory_space<hbm>>) dst(%arg6 : memref<120x512xf32, #tpu.memory_space<vmem>>)
    %add3A_263 = arith.constant 64 : i32
    %add3A_264 = arith.addi %add3A, %add3A_263 : i32
    %jit3A_265 = arith.constant 32 : i32
    %div3A_266 = arith.divsi %add3A_264, %jit3A_265 : i32
    %sign3A_267 = arith.constant 0 : i32
    %sign3A_268 = arith.cmpi sgt, %add3A_264, %sign3A_267 : i32
    %sign3A_269 = arith.extui %sign3A_268 : i1 to i32
    %sign3A_270 = arith.constant 0 : i32
    %sign3A_271 = arith.cmpi slt, %add3A_264, %sign3A_270 : i32
    %sign3A_272 = arith.extui %sign3A_271 : i1 to i32
    %sign3A_273 = arith.subi %sign3A_269, %sign3A_272 : i32
    %sign3A_274 = arith.constant 0 : i32
    %sign3A_275 = arith.cmpi sgt, %jit3A_265, %sign3A_274 : i32
    %sign3A_276 = arith.extui %sign3A_275 : i1 to i32
    %sign3A_277 = arith.constant 0 : i32
    %sign3A_278 = arith.cmpi slt, %jit3A_265, %sign3A_277 : i32
    %sign3A_279 = arith.extui %sign3A_278 : i1 to i32
    %sign3A_280 = arith.subi %sign3A_276, %sign3A_279 : i32
    %ne3A_281 = arith.cmpi ne, %sign3A_273, %sign3A_280 : i32
    %rem3A_282 = arith.remsi %add3A_264, %jit3A_265 : i32
    %ne3A_283 = arith.constant 0 : i32
    %ne3A_284 = arith.cmpi ne, %rem3A_282, %ne3A_283 : i32
    %and3A_285 = arith.andi %ne3A_281, %ne3A_284 : i1
    %sub3A_286 = arith.constant 1 : i32
    %sub3A_287 = arith.subi %div3A_266, %sub3A_286 : i32
    %select_n3A_288 = arith.select %and3A_285, %sub3A_287, %div3A_266 : i32
    %jit3A_289 = arith.constant 32 : i32
    %eq3A_290 = arith.constant 0 : i32
    %eq3A_291 = arith.cmpi eq, %jit3A_289, %eq3A_290 : i32
    %jit3A_292 = arith.constant 1 : i32
    %select_n3A_293 = arith.select %eq3A_291, %jit3A_292, %jit3A_289 : i32
    %rem3A_294 = arith.remsi %add3A_264, %select_n3A_293 : i32
    %ne3A_295 = arith.constant 0 : i32
    %ne3A_296 = arith.cmpi ne, %rem3A_294, %ne3A_295 : i32
    %lt3A_297 = arith.constant 0 : i32
    %lt3A_298 = arith.cmpi slt, %rem3A_294, %lt3A_297 : i32
    %lt3A_299 = arith.constant 0 : i32
    %lt3A_300 = arith.cmpi slt, %select_n3A_293, %lt3A_299 : i32
    %ne3A_301 = arith.xori %lt3A_298, %lt3A_300 : i1
    %and3A_302 = arith.andi %ne3A_301, %ne3A_296 : i1
    %add3A_303 = arith.addi %rem3A_294, %select_n3A_293 : i32
    %select_n3A_304 = arith.select %and3A_302, %add3A_303, %rem3A_294 : i32
    %mul3A_305 = arith.constant 512 : i32
    %mul3A_306 = arith.muli %select_n3A_304, %mul3A_305 : i32
    %dma_start3A_307 = arith.constant 0 : i32
    %dma_start3A_308 = tpu.memref_slice %arg4[%select_n3A_288, %dma_start3A_307, %mul3A_306] : memref<3x120x16384xf32, #tpu.memory_space<hbm>> -> memref<1x120x512xf32, #tpu.memory_space<hbm>>
    %dma_start3A_309 = tpu.memref_squeeze %dma_start3A_308 : memref<1x120x512xf32, #tpu.memory_space<hbm>> -> memref<120x512xf32, #tpu.memory_space<hbm>>
    %dma_start3A_310 = arith.constant 0 : i32
    %dma_start3A_311 = tpu.memref_slice %arg4[%select_n3A_288, %dma_start3A_310, %mul3A_306] : memref<3x120x16384xf32, #tpu.memory_space<hbm>> -> memref<1x120x512xf32, #tpu.memory_space<hbm>>
    %dma_start3A_312 = tpu.memref_squeeze %dma_start3A_311 : memref<1x120x512xf32, #tpu.memory_space<hbm>> -> memref<120x512xf32, #tpu.memory_space<hbm>>
    tpu.enqueue_dma source(%arg6 : memref<120x512xf32, #tpu.memory_space<vmem>>) target(%dma_start3A_312 : memref<120x512xf32, #tpu.memory_space<hbm>>) target_semaphore(%arg9 : memref<!tpu.dma_semaphore, #tpu.memory_space<semaphore_mem>>)
    %dma_wait3A_313 = arith.constant 0 : i32
    %dma_wait3A_314 = tpu.memref_slice %arg4[%select_n3A_288, %dma_wait3A_313, %mul3A_306] : memref<3x120x16384xf32, #tpu.memory_space<hbm>> -> memref<1x120x512xf32, #tpu.memory_space<hbm>>
    %dma_wait3A_315 = tpu.memref_squeeze %dma_wait3A_314 : memref<1x120x512xf32, #tpu.memory_space<hbm>> -> memref<120x512xf32, #tpu.memory_space<hbm>>
    %dma_wait3A_316 = arith.constant 0 : i32
    %dma_wait3A_317 = tpu.memref_slice %arg4[%select_n3A_288, %dma_wait3A_316, %mul3A_306] : memref<3x120x16384xf32, #tpu.memory_space<hbm>> -> memref<1x120x512xf32, #tpu.memory_space<hbm>>
    %dma_wait3A_318 = tpu.memref_squeeze %dma_wait3A_317 : memref<1x120x512xf32, #tpu.memory_space<hbm>> -> memref<120x512xf32, #tpu.memory_space<hbm>>
    tpu.wait_dma2 semaphore(%arg9 : memref<!tpu.dma_semaphore, #tpu.memory_space<semaphore_mem>>) src(%arg6 : memref<120x512xf32, #tpu.memory_space<vmem>>) dst(%dma_wait3A_318 : memref<120x512xf32, #tpu.memory_space<hbm>>)
    return
  }
}

</mosaic_0001>

<sc_bundles>
// kernel: kernel.3.cloned.1.call-start
scs
__scs_entry_jumppad:
0x0: {  	(pc) =	sbr.rel $0x88, $3  }
0x1: {  	(tag) =	ssettag $0x0;
	lr =	simm.s32 $0x1  }
0x2: {  	[smem:$0x3F9F] =	sst lr;
	_ =	strace $0xD0000000  }
0x3: {  	_ = 	snop  }
0x4: {  	_ = 	snop  }
0x5: {  	_ = 	snop  }
0x6: {  	_ = 	snop  }
0x7: {  	_ = 	snop  }
__scs_overlays_trampoline_lowered:
0x8: {  	[smem:$0x3FAE] =	sst s0  }
0x9: {  	[smem:$0x3FAF] =	sst s1  }
0xa: {  	[smem:$0x3FB0] =	sst s2  }
0xb: {  	[smem:$0x3FB1] =	sst s3  }
0xc: {  	[smem:$0x3FB2] =	sst s4  }
0xd: {  	[smem:$0x3FB3] =	sst s5  }
0xe: {  	[smem:$0x3FB4] =	sst s6  }
0xf: {  	[smem:$0x3FB5] =	sst s7  }
0x10: {  	[smem:$0x3FB6] =	sst s8  }
0x11: {  	[smem:$0x3FB7] =	sst s9;
	s0 =	simm.s32 @!p0 $0x0  }
0x12: {  	s1 =	sld [smem:$0x3F9D];
	s0 =	simm.s32 @p0 $0x1  }
0x13: {  	[smem:$0x3FB8] =	sst s0;
	s0 =	simm.s32 @!p1 $0x0  }
0x14: {  	s2 =	sld [smem:$0x3F9C];
	s0 =	simm.s32 @p1 $0x1  }
0x15: {  	[smem:$0x3FB9] =	sst s0;
	s0 =	simm.s32 @!p2 $0x0  }
0x16: {  	s3 =	sld [smem:$0x3FDB];
	s0 =	simm.s32 @p2 $0x1  }
0x17: {  	s4 =	simm.s32 $0x1BF5;
	[smem:$0x3FBB] =	sst s0  }
0x18: {  	s0 =	sld [smem:$0x3F9E];
	_ =	swait.ge [sflag:s4], $0x0  }
0x19: {  	s7 =	sld [smem:$0x3F9F]  }
0x1a: {  	s8 =	sadd.s32 $0xFFFFE003, lr  }
0x1b: {  	s9 =	sadd.s32 $0xFFFFFEF7, lr;
	s5 =	simm.s32 $0xFFFFFFFF;
	p2 =	slt.u32 s8, $0xFFFFF086  }
0x1c: {  	p1 =	slt.u32 s9, $0xF7A;
	s5 =	simm.s32 @!p2 $0x0  }
0x1d: {  	s5 =	simm.s32 @p1 $0x1;
	p0 =	seq.s32 s7, s2  }
0x1e: {  	s7 =	smul.u32 @!p0 $0xF7A, s2;
	p2 =	seq.s32 @!p0 s5, $0x0  }
0x1f: {  	s9 =	smul.u32 $0xF7A, s1;
	s8 =	simm.s32 @!p0 $0x1BF5;
	p2 =	por !p2, p0  }
0x20: {  	[sflag:s8] =	ssyncset.s32 @!p0 $0xFFFFF086;
	s6 =	sadd.s32 @!p0 s3, s7;
	s7 =	simm.s32 @!p0 $0x108  }
0x21: {  	s3 =	sadd.s32 s3, s9;
	s6 =	sadd.s32 @!p0 $0x88, s6;
	s7 =	simm.s32 @p2 $0x1082  }
0x22: {  	[simem:s7], [sflag:s8] =	dma.local @!p0 [hbm:s6], $0xF7A  }
0x23: {  	s9 =	sor.u32 $0xD0000000, s2;
	s6 =	simm.s32 $0x108;
	_ =	swait.ge @!p0 [sflag:s8], $0x0  }
0x24: {  	s3 =	sadd.s32 $0x88, s3;
	s6 =	simm.s32 @!p1 $0x1082;
	[sflag:s4] =	ssyncset.s32 $0xFFFFF086  }
0x25: {  	[simem:s6], [sflag:s4] =	dma.local [hbm:s3], $0xF7A  }
0x26: {  	[smem:$0x3F9F] =	sst s1;
	(tag) =	ssettag s2;
	_ =	strace s9  }
0x27: {  	s1 =	sld [smem:$0x3FAF]  }
0x28: {  	s2 =	sld [smem:$0x3FB0]  }
0x29: {  	s4 =	sld [smem:$0x3FB2]  }
0x2a: {  	p0 =	seq.s32 s5, $0x0;
	s5 =	sld [smem:$0x3FB3]  }
0x2b: {  	s6 =	sld [smem:$0x3FB4]  }
0x2c: {  	s7 =	sld [smem:$0x3FB5]  }
0x2d: {  	s3 =	simm.s32 $0x108;
	s8 =	sld [smem:$0x3FB6]  }
0x2e: {  	s3 =	simm.s32 @!p0 $0x1082;
	s9 =	sld [smem:$0x3FB7]  }
0x2f: {  	lr =	sadd.s32 s0, s3;
	s0 =	sld [smem:$0x3FAE]  }
0x30: {  	s3 =	sld [smem:$0x3FB1]  }
0x31: {  	[smem:$0x3FBA] =	sst s10  }
0x32: {  	s10 =	sld [smem:$0x3FB8];
	_ =	sdelay $0x3  }
0x33: {  	p0 =	seq.s32 s10, $0x1;
	s10 =	sld [smem:$0x3FBA];
	_ =	sdelay $0x3  }
0x34: {  	[smem:$0x3FBA] =	sst s10  }
0x35: {  	s10 =	sld [smem:$0x3FB9];
	_ =	sdelay $0x3  }
0x36: {  	p1 =	seq.s32 s10, $0x1;
	s10 =	sld [smem:$0x3FBA];
	_ =	sdelay $0x3  }
0x37: {  	[smem:$0x3FBA] =	sst s10  }
0x38: {  	s10 =	sld [smem:$0x3FBB]  }
0x39: {  	_ = 	snop;
	(pc) =	sbr.ind lr, $3  }
0x3a: {  	_ = 	snop  }
0x3b: {  	_ = 	snop  }
0x3c: {  	p2 =	seq.s32 s10, $0x1;
	s10 =	sld [smem:$0x3FBA]  }
0x3d: {  	_ =	shalt  }
0x3e: {  	_ =	shalt  }
0x3f: {  	_ =	shalt  }
0x40: {  	_ =	shalt  }
0x41: {  	_ =	shalt  }
0x42: {  	_ =	shalt  }
0x43: {  	_ =	shalt  }
0x44: {  	_ =	shalt  }
0x45: {  	_ =	shalt  }
0x46: {  	_ =	shalt  }
0x47: {  	_ =	shalt  }
0x48: {  	_ =	shalt  }
0x49: {  	_ =	shalt  }
0x4a: {  	_ =	shalt  }
0x4b: {  	_ =	shalt  }
0x4c: {  	_ =	shalt  }
0x4d: {  	_ =	shalt  }
0x4e: {  	_ =	shalt  }
0x4f: {  	_ =	shalt  }
0x50: {  	_ =	shalt  }
0x51: {  	_ =	shalt  }
0x52: {  	_ =	shalt  }
0x53: {  	_ =	shalt  }
0x54: {  	_ =	shalt  }
0x55: {  	_ =	shalt  }
0x56: {  	_ =	shalt  }
0x57: {  	_ =	shalt  }
0x58: {  	_ =	shalt  }
0x59: {  	_ =	shalt  }
0x5a: {  	_ =	shalt  }
0x5b: {  	_ =	shalt  }
0x5c: {  	_ =	shalt  }
0x5d: {  	_ =	shalt  }
0x5e: {  	_ =	shalt  }
0x5f: {  	_ =	shalt  }
0x60: {  	_ =	shalt  }
0x61: {  	_ =	shalt  }
0x62: {  	_ =	shalt  }
0x63: {  	_ =	shalt  }
0x64: {  	_ =	shalt  }
0x65: {  	_ =	shalt  }
0x66: {  	_ =	shalt  }
0x67: {  	_ =	shalt  }
0x68: {  	_ =	shalt  }
0x69: {  	_ =	shalt  }
0x6a: {  	_ =	shalt  }
0x6b: {  	_ =	shalt  }
0x6c: {  	_ =	shalt  }
0x6d: {  	_ =	shalt  }
0x6e: {  	_ =	shalt  }
0x6f: {  	_ =	shalt  }
0x70: {  	_ =	shalt  }
0x71: {  	_ =	shalt  }
0x72: {  	_ =	shalt  }
0x73: {  	_ =	shalt  }
0x74: {  	_ =	shalt  }
0x75: {  	_ =	shalt  }
0x76: {  	_ =	shalt  }
0x77: {  	_ =	shalt  }
0x78: {  	_ =	shalt  }
0x79: {  	_ =	shalt  }
0x7a: {  	_ =	shalt  }
0x7b: {  	_ =	shalt  }
0x7c: {  	_ =	shalt  }
0x7d: {  	_ =	shalt  }
0x7e: {  	_ =	shalt  }
0x7f: {  	_ =	shalt  }
0x80: {  	_ =	shalt  }
0x81: {  	_ =	shalt  }
0x82: {  	_ =	shalt  }
0x83: {  	_ =	shalt  }
0x84: {  	_ =	shalt  }
0x85: {  	_ =	shalt  }
0x86: {  	_ =	shalt  }
0x87: {  	_ =	shalt  }
.Lfunc_end0:
.L_simem_size_0:
called_computation_lowered:
.L_overlay_start_0:
0x88: {  	s2 =	sld [smem:$0x3FD9]  }
0x89: {  	s3 =	sld [smem:$0x3FFE];
	_ =	sdelay $0x1  }
0x8a: {  	s1 =	srdreg.scid  }
0x8b: {  	s0 =	sand.u32 $0x1, s1  }
0x8c: {  	s17 =	sshll.u32 s0, $0xA;
	s2 =	sadd.s32 s3, s2  }
0x8d: {  	s2 =	sadd.s32 s2, s17  }
0x8e: {  	[smem:$0x3FC6] =	sst s2  }
0x8f: {  	_ = 	snop  }
0x90: {  	s2 =	sld [smem:$0x3FC9]  }
0x91: {  	s18 =	sld [smem:$0x3FD0];
	(tm) =	ssettm $0x1  }
0x92: {  	s4 =	sld [smem:$0x3FFB];
	_ =	sdelay $0x3  }
0x93: {  	_ =	strace s4  }
0x94: {  	s4 =	sld [smem:$0x3FFC];
	_ =	sdelay $0x3  }
0x95: {  	_ =	strace s4  }
0x96: {  	s4 =	sld [smem:$0x3FFD];
	_ =	sdelay $0x3  }
0x97: {  	_ =	strace s4  }
0x98: {  	_ =	strace $0x8FFFFFFF  }
0x99: {  	s19 =	sld [smem:$0x3FDB];
	_ =	sdelay $0x1  }
0x9a: {  	s5 =	simm.s32 $_scs_section_size  }
0x9b: {  	s6 =	simm.s32 $_size__tile_overlayer_lowered;
	s7 =	simm.s32 $_tile_overlayer_lowered  }
0x9c: {  	s22 =	simm.s32 $0x1BFF;
	s21 =	sshll.u32 s7, $0x1;
	s4 =	sadd.s32 s5, s19  }
0x9d: {  	s8 =	simm.s32 $0x0;
	s20 =	sshll.u32 s6, $0x1;
	s6 =	sadd.s32 s21, s4  }
0x9e: {  	[timem:s8], [sflag:s22] =	dma.local [hbm:s6], s20  }
0x9f: {  	_ =	swait.ge [sflag:s22], s20  }
0xa0: {  	s5 =	ssub.s32 $0x0, s20;
	[sflag:s22] =	ssyncset.done $0x0  }
0xa1: {  	[sflag:s22] =	ssyncadd.s32 s5;
	_ =	sdelay $0x1  }
0xa2: {  	s23 =	simm.s32 $0x1B8B  }
0xa3: {  	_ =	swait.ge [sflag:s23], $0x1  }
0xa4: {  	[sflag:s23] =	ssyncset.done $0x0  }
0xa5: {  	s25 =	simm.s32 $0x1B8E;
	s24 =	sld [smem:$0x3FFE];
	[sflag:s23] =	ssyncadd.s32 $0xFFFFFFFF  }
0xa6: {  	s26 =	simm.s32 $execute0_lowered;
	[smem:$0x3FD2] =	sst s25  }
0xa7: {  	s6 =	sshll.u32 s26, $0x1;
	_ =	strace $0x80000046;
	[dreg:$0x1] =	wrdreg $0xFFFFFFFF  }
0xa8: {  	s28 =	simm.s32 $_size_execute0_lowered;
	s4 =	sadd.s32 s4, s6;
	[dreg:$0x0] =	wrdreg $0x0  }
0xa9: {  	s6 =	sshll.u32 s28, $0x1;
	[dreg:$0x2] =	wrdreg s4  }
0xaa: {  	[dreg:$0x3] =	wrdreg s6  }
0xab: {  	[dreg:$0x4] =	wrdreg $0xC0  }
0xac: {  	_ =	task [dreg:s8], $0x5FFFF  }
0xad: {  	[dreg:$0x1] =	wrdreg $0xFFFFFFFF  }
0xae: {  	[dreg:$0x0] =	wrdreg $0x60  }
0xaf: {  	[dreg:$0x2] =	wrdreg s2  }
0xb0: {  	[dreg:$0x3] =	wrdreg s24  }
0xb1: {  	[dreg:$0x4] =	wrdreg s18  }
0xb2: {  	[dreg:$0x5] =	wrdreg $0x9  }
0xb3: {  	_ =	task.clear_ibuf [dreg:s8], $0x6FFFF;
	_ =	strace $0x90000046  }
0xb4: {  	s29 =	simm.s32 $0x9;
	_ =	strace $0x80000048  }
0xb5: {  	_ =	swait.ge [sflag:s29], $0x1  }
0xb6: {  	[sflag:s29] =	ssyncadd.s32 $0xFFFFFFFF  }
0xb7: {  	_ =	strace $0x90000048  }
0xb8: {  	_ =	sfence  }
0xb9: {  	s30 =	sld [smem:$0x0];
	_ =	sdelay $0x2  }
0xba: {  	s31 =	sshll.u32 s1, $0xD;
	s1 =	sshrl.u32 s1, $0x2  }
0xbb: {  	s3 =	sand.u32 $0x4000, s31;
	s1 =	sadd.s32 s1, s30  }
0xbc: {  	s0 =	sor.u32 s3, s0;
	s1 =	sshll.u32 s1, $0x11  }
0xbd: {  	s0 =	sor.u32 s1, s0  }
0xbe: {  	s0 =	sadd.s32 $0x8F2B, s0  }
0xbf: {  	[sflag:s0] =	ssyncadd.remote.s32 $0x1  }
0xc0: {  	_ =	sfence.sel $0xFFFF  }
0xc1: {  	[dreg:$0x0] =	wrdreg $0xFFFFFFFF;
	(pc) =	sbr.abs _section_cstart, $3  }
0xc2: {  	[dreg:$0x1] =	wrdreg $0xFFFFFFFF  }
0xc3: {  	_ =	task.clear_ibuf [dreg:s8], $0x2FFFF;
	_ =	strace $0x9FFFFFFF  }
0xc4: {  	(tm) =	ssettm $0x7FFFFFFF  }
0xc5: {  	_ =	shalt  }
tec
execute0_lowered:
.L_overlay_start_1:
0x0: {  	(tag) =	ssettag $0x1  }
0x1: {  	s0 =	rddreg [dreg:$0x0]  }
0x2: {  	s1 =	rddreg [dreg:$0x1];
	s2 =	srdreg.scid  }
0x3: {  	s3 =	rddreg [dreg:$0x2];
	s4 =	sand.u32 $0x1, s2;
	s2 =	simm.s32 $0x0  }
0x4: {  	s1 =	sadd.s32 $0x400, s1;
	[smem:$0x7FF] =	sst s2  }
0x5: {  	s18 =	simm.s32 $0xFA00;
	_ =	strace $0x80000047;
	[dreg:$0x4] =	wrdreg s1  }
0x6: {  	s19 =	simm.s32 $0x10200;
	[dreg:$0x7] =	wrdreg s18  }
0x7: {  	s20 =	simm.s32 $0x10A00;
	[dreg:$0x8] =	wrdreg s19  }
0x8: {  	s21 =	simm.s32 $0x11200;
	[dreg:$0x9] =	wrdreg s20  }
0x9: {  	s22 =	simm.s32 $0x11A00;
	[dreg:$0xa] =	wrdreg s21  }
0xa: {  	s23 =	simm.s32 $0x12200;
	[dreg:$0xb] =	wrdreg s22  }
0xb: {  	s24 =	simm.s32 $0x12A00;
	[dreg:$0xc] =	wrdreg s23  }
0xc: {  	s5 =	stileid.u32;
	s26 =	simm.s32 $0x13200;
	[dreg:$0xd] =	wrdreg s24  }
0xd: {  	s7 =	simm.s32 $0x14200;
	s8 =	simm.s32 $0x14A00;
	[dreg:$0xe] =	wrdreg s26  }
0xe: {  	s9 =	simm.s32 $0x15200;
	s10 =	simm.s32 $0x15A00;
	[dreg:$0x10] =	wrdreg s7  }
0xf: {  	s11 =	simm.s32 $0x16200;
	s12 =	simm.s32 $0x16A00;
	[dreg:$0x11] =	wrdreg s8  }
0x10: {  	s13 =	simm.s32 $0x17200;
	s14 =	simm.s32 $0x17A00;
	[dreg:$0x12] =	wrdreg s9  }
0x11: {  	s15 =	simm.s32 $0x18200;
	s28 =	simm.s32 $0x4200;
	[dreg:$0x13] =	wrdreg s10  }
0x12: {  	s29 =	simm.s32 $0x4A00;
	s30 =	simm.s32 $0x5200;
	[dreg:$0x14] =	wrdreg s11  }
0x13: {  	s31 =	simm.s32 $0x5A00;
	s5 =	sshll.u32 s5, $0xA;
	[dreg:$0x15] =	wrdreg s12  }
0x14: {  	s6 =	sshll.u32 s4, $0x9;
	s25 =	ssub.s32 $0x2, s4;
	[dreg:$0x16] =	wrdreg s13  }
0x15: {  	s5 =	sor.u32 s6, s5;
	s4 =	sshrl.u32 s25, $0x1;
	[dreg:$0x17] =	wrdreg s14  }
0x16: {  	s6 =	simm.s32 $0x13A00;
	[dreg:$0x18] =	wrdreg s15;
	s18 =	simm.s32 $0x19A00  }
0x17: {  	s19 =	simm.s32 $0x1A200;
	s20 =	simm.s32 $0x1AA00;
	[dreg:$0xf] =	wrdreg s6  }
0x18: {  	s21 =	simm.s32 $0x1B200;
	s22 =	simm.s32 $0x1BA00;
	[dreg:$0x1b] =	wrdreg s18  }
0x19: {  	s23 =	simm.s32 $0x1C200;
	s24 =	simm.s32 $0x1CA00;
	[dreg:$0x1c] =	wrdreg s19  }
0x1a: {  	s26 =	simm.s32 $0x1DA00;
	s14 =	simm.s32 $0x1;
	[dreg:$0x1d] =	wrdreg s20  }
0x1b: {  	s1 =	simm.s32 $0x200;
	s9 =	simm.s32 $0x7A00;
	[dreg:$0x1e] =	wrdreg s21  }
0x1c: {  	s10 =	simm.s32 $0x8200;
	s11 =	simm.s32 $0x8A00;
	[dreg:$0x1f] =	wrdreg s22  }
0x1d: {  	s12 =	simm.s32 $0x9200;
	s13 =	simm.s32 $0x9A00;
	[smem:$0x7FA] =	sst s23  }
0x1e: {  	s15 =	simm.s32 $0xAA00;
	s7 =	simm.s32 $0xBA00;
	[smem:$0x7FB] =	sst s24  }
0x1f: {  	s3 =	sadd.s32 s3, s5;
	[smem:$0x7FD] =	sst s26;
	s20 =	simm.s32 $0xA00  }
0x20: {  	s21 =	simm.s32 $0x1200;
	s22 =	simm.s32 $0x1A00;
	s23 =	simm.s32 $0x2200  }
0x21: {  	s24 =	simm.s32 $0x2A00;
	s26 =	simm.s32 $0x3A00;
	s16 =	sadd.s32 $0x3C000, s3  }
0x22: {  	[smem:$0x7F9] =	sst s3;
	s17 =	sadd.s32 $0x78000, s3;
	s3 =	ssub.s32 s25, s4  }
0x23: {  	s4 =	sadd.s32 s0, s5;
	s25 =	simm.s32 $0x1D200;
	[dreg:$0x5] =	wrdreg s16  }
0x24: {  	[dreg:$0x6] =	wrdreg s17;
	s5 =	smax.u32 s3, $0x1;
	s8 =	sadd.s32 $0x100, s4  }
0x25: {  	v2 =	vlaneseq.u32;
	s16 =	simm.s32 $0x18A00;
	s17 =	simm.s32 $0x19200;
	[smem:$0x7FC] =	sst s25  }
0x26: {  	vm0 =	vmmov $0xffff;
	v1 =	vshrl.u32 v2, $0x3;
	s25 =	simm.s32 $0x3200;
	s3 =	simm.s32 $0xF200;
	[dreg:$0x19] =	wrdreg s16  }
0x27: {  	v0 =	vand.u32 $0x7, v2;
	v2 =	vor.u32 $0x8, v2;
	v1 =	vmul.u32 $0x8, v1;
	[dreg:$0x1a] =	wrdreg s17;
	s17 =	simm.s32 $0x2;
	s16 =	simm.s32 $0xB200  }
.LBB2_1:
0x28: {  	s18 =	rddreg [dreg:$0x4];
	s0 =	simm.s32 $0x3  }
0x29: {  	[tilespmem:s2], [sflag:$0x3] =	stream.linear.gather [hbm4b:s18+s2], $0x180, $0x38;
	[tilespmem:$0x1E200] =	vst v63  }
0x2a: {  	_ =	swait.ge [sflag:s0], $0x180  }
0x2b: {  	[sflag:s0] =	ssyncset.done $0x0  }
0x2c: {  	[sflag:s0] =	ssyncadd.s32 $0xFFFFFE80  }
0x2d: {  	v3 =	vld [tilespmem:$0x0];
	_ =	sdelay $0x4  }
0x2e: {  	v4 =	vshll.u32 v3, $0x7  }
0x2f: {  	v3 =	vand.u32 $0x7, v3;
	v4 =	vand.u32 $0xFFFFFC00, v4  }
0x30: {  	v3 =	vor.u32 v3, v4  }
0x31: {  	v4 =	vperm.xlane v3, v0;
	_ =	sdelay $0x1  }
0x32: {  	v4 =	vadd.s32 v1, v4;
	_ =	sdelay $0x1  }
0x33: {  	v3 =	vperm.xlane v3, v2;
	_ =	sdelay $0x1  }
0x34: {  	v3 =	vadd.s32 v1, v3  }
0x35: {  	[tilespmem:s1], [sflag:$0x1] =	stream.indirect_vreg.gather [hbm4b:s4+s2], $0x80, v4, vm0, $0xb8;
	[tilespmem:$0x1E200] =	vst v63  }
0x36: {  	_ = 	snop  }
0x37: {  	[tilespmem:s20], [sflag:$0x1] =	stream.indirect_vreg.gather [hbm4b:s8+s2], $0x80, v4, vm0, $0xb8;
	[tilespmem:$0x1E200] =	vst v63  }
0x38: {  	_ = 	snop  }
0x39: {  	[tilespmem:s21], [sflag:$0x1] =	stream.indirect_vreg.gather [hbm4b:s4+s2], $0x80, v3, vm0, $0xb8;
	[tilespmem:$0x1E200] =	vst v63  }
0x3a: {  	_ = 	snop  }
0x3b: {  	[tilespmem:s22], [sflag:$0x1] =	stream.indirect_vreg.gather [hbm4b:s8+s2], $0x80, v3, vm0, $0xb8;
	[tilespmem:$0x1E200] =	vst v63  }
0x3c: {  	v3 =	vld [tilespmem:$0x10];
	_ =	sdelay $0x4  }
0x3d: {  	v41 =	vshll.u32 v3, $0x7  }
0x3e: {  	v3 =	vand.u32 $0x7, v3;
	v4 =	vand.u32 $0xFFFFFC00, v41  }
0x3f: {  	v3 =	vor.u32 v3, v4  }
0x40: {  	v4 =	vperm.xlane v3, v0;
	_ =	sdelay $0x1  }
0x41: {  	v4 =	vadd.s32 v1, v4;
	_ =	sdelay $0x1  }
0x42: {  	v3 =	vperm.xlane v3, v2;
	_ =	sdelay $0x1  }
0x43: {  	v3 =	vadd.s32 v1, v3  }
0x44: {  	[tilespmem:s23], [sflag:$0x1] =	stream.indirect_vreg.gather [hbm4b:s4+s2], $0x80, v4, vm0, $0xb8;
	[tilespmem:$0x1E200] =	vst v63  }
0x45: {  	_ = 	snop  }
0x46: {  	[tilespmem:s24], [sflag:$0x1] =	stream.indirect_vreg.gather [hbm4b:s8+s2], $0x80, v4, vm0, $0xb8;
	[tilespmem:$0x1E200] =	vst v63  }
0x47: {  	_ = 	snop  }
0x48: {  	[tilespmem:s25], [sflag:$0x1] =	stream.indirect_vreg.gather [hbm4b:s4+s2], $0x80, v3, vm0, $0xb8;
	[tilespmem:$0x1E200] =	vst v63  }
0x49: {  	_ = 	snop  }
0x4a: {  	[tilespmem:s26], [sflag:$0x1] =	stream.indirect_vreg.gather [hbm4b:s8+s2], $0x80, v3, vm0, $0xb8;
	[tilespmem:$0x1E200] =	vst v63  }
0x4b: {  	v3 =	vld [tilespmem:$0x20];
	_ =	sdelay $0x4  }
0x4c: {  	v42 =	vshll.u32 v3, $0x7  }
0x4d: {  	v3 =	vand.u32 $0x7, v3;
	v4 =	vand.u32 $0xFFFFFC00, v42  }
0x4e: {  	v3 =	vor.u32 v3, v4  }
0x4f: {  	v4 =	vperm.xlane v3, v0;
	_ =	sdelay $0x1  }
0x50: {  	v4 =	vadd.s32 v1, v4;
	_ =	sdelay $0x1  }
0x51: {  	v3 =	vperm.xlane v3, v2;
	_ =	sdelay $0x1  }
0x52: {  	v3 =	vadd.s32 v1, v3  }
0x53: {  	[tilespmem:s28], [sflag:$0x1] =	stream.indirect_vreg.gather [hbm4b:s4+s2], $0x80, v4, vm0, $0xb8;
	[tilespmem:$0x1E200] =	vst v63  }
0x54: {  	_ = 	snop  }
0x55: {  	[tilespmem:s29], [sflag:$0x1] =	stream.indirect_vreg.gather [hbm4b:s8+s2], $0x80, v4, vm0, $0xb8;
	[tilespmem:$0x1E200] =	vst v63  }
0x56: {  	_ = 	snop  }
0x57: {  	[tilespmem:s30], [sflag:$0x1] =	stream.indirect_vreg.gather [hbm4b:s4+s2], $0x80, v3, vm0, $0xb8;
	[tilespmem:$0x1E200] =	vst v63  }
0x58: {  	_ = 	snop  }
0x59: {  	[tilespmem:s31], [sflag:$0x1] =	stream.indirect_vreg.gather [hbm4b:s8+s2], $0x80, v3, vm0, $0xb8;
	[tilespmem:$0x1E200] =	vst v63  }
0x5a: {  	v3 =	vld [tilespmem:$0x30];
	_ =	sdelay $0x4  }
0x5b: {  	v43 =	vshll.u32 v3, $0x7  }
0x5c: {  	v3 =	vand.u32 $0x7, v3;
	v4 =	vand.u32 $0xFFFFFC00, v43  }
0x5d: {  	v3 =	vor.u32 v3, v4  }
0x5e: {  	v4 =	vperm.xlane v3, v0;
	_ =	sdelay $0x1  }
0x5f: {  	v4 =	vadd.s32 v1, v4;
	_ =	sdelay $0x1  }
0x60: {  	v3 =	vperm.xlane v3, v2;
	_ =	sdelay $0x1  }
0x61: {  	s18 =	simm.s32 $0x6200;
	v3 =	vadd.s32 v1, v3  }
0x62: {  	[tilespmem:s18], [sflag:$0x1] =	stream.indirect_vreg.gather [hbm4b:s4+s2], $0x80, v4, vm0, $0xb8;
	[tilespmem:$0x1E200] =	vst v63  }
0x63: {  	s19 =	simm.s32 $0x6A00  }
0x64: {  	[tilespmem:s19], [sflag:$0x1] =	stream.indirect_vreg.gather [hbm4b:s8+s2], $0x80, v4, vm0, $0xb8;
	[tilespmem:$0x1E200] =	vst v63  }
0x65: {  	s6 =	simm.s32 $0x7200  }
0x66: {  	[tilespmem:s6], [sflag:$0x1] =	stream.indirect_vreg.gather [hbm4b:s4+s2], $0x80, v3, vm0, $0xb8;
	[tilespmem:$0x1E200] =	vst v63  }
0x67: {  	_ = 	snop  }
0x68: {  	[tilespmem:s9], [sflag:$0x1] =	stream.indirect_vreg.gather [hbm4b:s8+s2], $0x80, v3, vm0, $0xb8;
	[tilespmem:$0x1E200] =	vst v63  }
0x69: {  	v3 =	vld [tilespmem:$0x40];
	_ =	sdelay $0x4  }
0x6a: {  	v44 =	vshll.u32 v3, $0x7  }
0x6b: {  	v3 =	vand.u32 $0x7, v3;
	v4 =	vand.u32 $0xFFFFFC00, v44  }
0x6c: {  	v3 =	vor.u32 v3, v4  }
0x6d: {  	v4 =	vperm.xlane v3, v0;
	_ =	sdelay $0x1  }
0x6e: {  	v4 =	vadd.s32 v1, v4;
	_ =	sdelay $0x1  }
0x6f: {  	v3 =	vperm.xlane v3, v2;
	_ =	sdelay $0x1  }
0x70: {  	v3 =	vadd.s32 v1, v3  }
0x71: {  	[tilespmem:s10], [sflag:$0x1] =	stream.indirect_vreg.gather [hbm4b:s4+s2], $0x80, v4, vm0, $0xb8;
	[tilespmem:$0x1E200] =	vst v63  }
0x72: {  	_ = 	snop  }
0x73: {  	[tilespmem:s11], [sflag:$0x1] =	stream.indirect_vreg.gather [hbm4b:s8+s2], $0x80, v4, vm0, $0xb8;
	[tilespmem:$0x1E200] =	vst v63  }
0x74: {  	_ = 	snop  }
0x75: {  	[tilespmem:s12], [sflag:$0x1] =	stream.indirect_vreg.gather [hbm4b:s4+s2], $0x80, v3, vm0, $0xb8;
	[tilespmem:$0x1E200] =	vst v63  }
0x76: {  	_ = 	snop  }
0x77: {  	[tilespmem:s13], [sflag:$0x1] =	stream.indirect_vreg.gather [hbm4b:s8+s2], $0x80, v3, vm0, $0xb8;
	[tilespmem:$0x1E200] =	vst v63  }
0x78: {  	v3 =	vld [tilespmem:$0x50];
	_ =	sdelay $0x4  }
0x79: {  	v45 =	vshll.u32 v3, $0x7  }
0x7a: {  	v3 =	vand.u32 $0x7, v3;
	v4 =	vand.u32 $0xFFFFFC00, v45  }
0x7b: {  	v3 =	vor.u32 v3, v4  }
0x7c: {  	v4 =	vperm.xlane v3, v0;
	_ =	sdelay $0x1  }
0x7d: {  	v4 =	vadd.s32 v1, v4;
	_ =	sdelay $0x1  }
0x7e: {  	v3 =	vperm.xlane v3, v2;
	_ =	sdelay $0x1  }
0x7f: {  	s6 =	simm.s32 $0xA200;
	v3 =	vadd.s32 v1, v3  }
0x80: {  	[tilespmem:s6], [sflag:$0x1] =	stream.indirect_vreg.gather [hbm4b:s4+s2], $0x80, v4, vm0, $0xb8;
	[tilespmem:$0x1E200] =	vst v63  }
0x81: {  	_ = 	snop  }
0x82: {  	[tilespmem:s15], [sflag:$0x1] =	stream.indirect_vreg.gather [hbm4b:s8+s2], $0x80, v4, vm0, $0xb8;
	[tilespmem:$0x1E200] =	vst v63  }
0x83: {  	_ = 	snop  }
0x84: {  	[tilespmem:s16], [sflag:$0x1] =	stream.indirect_vreg.gather [hbm4b:s4+s2], $0x80, v3, vm0, $0xb8;
	[tilespmem:$0x1E200] =	vst v63  }
0x85: {  	_ = 	snop  }
0x86: {  	[tilespmem:s7], [sflag:$0x1] =	stream.indirect_vreg.gather [hbm4b:s8+s2], $0x80, v3, vm0, $0xb8;
	[tilespmem:$0x1E200] =	vst v63  }
0x87: {  	v3 =	vld [tilespmem:$0x60];
	_ =	sdelay $0x4  }
0x88: {  	v46 =	vshll.u32 v3, $0x7  }
0x89: {  	v3 =	vand.u32 $0x7, v3;
	v4 =	vand.u32 $0xFFFFFC00, v46  }
0x8a: {  	v3 =	vor.u32 v3, v4  }
0x8b: {  	v4 =	vperm.xlane v3, v0;
	_ =	sdelay $0x1  }
0x8c: {  	v4 =	vadd.s32 v1, v4;
	_ =	sdelay $0x1  }
0x8d: {  	v3 =	vperm.xlane v3, v2;
	_ =	sdelay $0x1  }
0x8e: {  	s18 =	simm.s32 $0xC200;
	v3 =	vadd.s32 v1, v3  }
0x8f: {  	[tilespmem:s18], [sflag:$0x1] =	stream.indirect_vreg.gather [hbm4b:s4+s2], $0x80, v4, vm0, $0xb8;
	[tilespmem:$0x1E200] =	vst v63  }
0x90: {  	s19 =	simm.s32 $0xCA00  }
0x91: {  	[tilespmem:s19], [sflag:$0x1] =	stream.indirect_vreg.gather [hbm4b:s8+s2], $0x80, v4, vm0, $0xb8;
	[tilespmem:$0x1E200] =	vst v63  }
0x92: {  	s18 =	simm.s32 $0xD200  }
0x93: {  	[tilespmem:s18], [sflag:$0x1] =	stream.indirect_vreg.gather [hbm4b:s4+s2], $0x80, v3, vm0, $0xb8;
	[tilespmem:$0x1E200] =	vst v63  }
0x94: {  	s19 =	simm.s32 $0xDA00  }
0x95: {  	[tilespmem:s19], [sflag:$0x1] =	stream.indirect_vreg.gather [hbm4b:s8+s2], $0x80, v3, vm0, $0xb8;
	[tilespmem:$0x1E200] =	vst v63  }
0x96: {  	v3 =	vld.msk [tilespmem:$0x70], $0xff;
	_ =	sdelay $0x4  }
0x97: {  	v47 =	vshll.u32 v3, $0x7  }
0x98: {  	v3 =	vand.u32 $0x7, v3;
	v4 =	vand.u32 $0xFFFFFC00, v47  }
0x99: {  	v3 =	vor.u32 v3, v4  }
0x9a: {  	v3 =	vperm.xlane v3, v0;
	_ =	sdelay $0x1  }
0x9b: {  	v3 =	vadd.s32 v1, v3;
	_ =	sdelay $0x3  }
0x9c: {  	s18 =	simm.s32 $0xE200  }
0x9d: {  	[tilespmem:s18], [sflag:$0x1] =	stream.indirect_vreg.gather [hbm4b:s4+s2], $0x80, v3, vm0, $0xb8;
	[tilespmem:$0x1E200] =	vst v63  }
0x9e: {  	s19 =	simm.s32 $0xEA00  }
0x9f: {  	[tilespmem:s19], [sflag:$0x1] =	stream.indirect_vreg.gather [hbm4b:s8+s2], $0x80, v3, vm0, $0xb8;
	[tilespmem:$0x1E200] =	vst v63  }
0xa0: {  	v3 =	vld [tilespmem:$0x80];
	_ =	sdelay $0x4  }
0xa1: {  	v48 =	vshll.u32 v3, $0x7  }
0xa2: {  	v3 =	vand.u32 $0x7, v3;
	v4 =	vand.u32 $0xFFFFFC00, v48  }
0xa3: {  	v3 =	vor.u32 v3, v4  }
0xa4: {  	v4 =	vperm.xlane v3, v0;
	_ =	sdelay $0x1  }
0xa5: {  	v4 =	vadd.s32 v1, v4;
	_ =	sdelay $0x1  }
0xa6: {  	v3 =	vperm.xlane v3, v2;
	_ =	sdelay $0x1  }
0xa7: {  	v3 =	vadd.s32 v1, v3  }
0xa8: {  	[tilespmem:s3], [sflag:$0x1] =	stream.indirect_vreg.gather [hbm4b:s4+s2], $0x80, v4, vm0, $0xb8;
	[tilespmem:$0x1E200] =	vst v63  }
0xa9: {  	s0 =	rddreg [dreg:$0x7]  }
0xaa: {  	[tilespmem:s0], [sflag:$0x1] =	stream.indirect_vreg.gather [hbm4b:s8+s2], $0x80, v4, vm0, $0xb8;
	[tilespmem:$0x1E200] =	vst v63  }
0xab: {  	s19 =	rddreg [dreg:$0x8]  }
0xac: {  	[tilespmem:s19], [sflag:$0x1] =	stream.indirect_vreg.gather [hbm4b:s4+s2], $0x80, v3, vm0, $0xb8;
	[tilespmem:$0x1E200] =	vst v63  }
0xad: {  	s0 =	rddreg [dreg:$0x9]  }
0xae: {  	[tilespmem:s0], [sflag:$0x1] =	stream.indirect_vreg.gather [hbm4b:s8+s2], $0x80, v3, vm0, $0xb8;
	[tilespmem:$0x1E200] =	vst v63  }
0xaf: {  	v3 =	vld [tilespmem:$0x90];
	_ =	sdelay $0x4  }
0xb0: {  	v49 =	vshll.u32 v3, $0x7  }
0xb1: {  	v3 =	vand.u32 $0x7, v3;
	v4 =	vand.u32 $0xFFFFFC00, v49  }
0xb2: {  	v3 =	vor.u32 v3, v4  }
0xb3: {  	v4 =	vperm.xlane v3, v0;
	_ =	sdelay $0x1  }
0xb4: {  	v4 =	vadd.s32 v1, v4;
	_ =	sdelay $0x1  }
0xb5: {  	v3 =	vperm.xlane v3, v2;
	_ =	sdelay $0x1  }
0xb6: {  	s19 =	rddreg [dreg:$0xa];
	v3 =	vadd.s32 v1, v3  }
0xb7: {  	[tilespmem:s19], [sflag:$0x1] =	stream.indirect_vreg.gather [hbm4b:s4+s2], $0x80, v4, vm0, $0xb8;
	[tilespmem:$0x1E200] =	vst v63  }
0xb8: {  	s0 =	rddreg [dreg:$0xb]  }
0xb9: {  	[tilespmem:s0], [sflag:$0x1] =	stream.indirect_vreg.gather [hbm4b:s8+s2], $0x80, v4, vm0, $0xb8;
	[tilespmem:$0x1E200] =	vst v63  }
0xba: {  	s18 =	rddreg [dreg:$0xc]  }
0xbb: {  	[tilespmem:s18], [sflag:$0x1] =	stream.indirect_vreg.gather [hbm4b:s4+s2], $0x80, v3, vm0, $0xb8;
	[tilespmem:$0x1E200] =	vst v63  }
0xbc: {  	s0 =	rddreg [dreg:$0xd]  }
0xbd: {  	[tilespmem:s0], [sflag:$0x1] =	stream.indirect_vreg.gather [hbm4b:s8+s2], $0x80, v3, vm0, $0xb8;
	[tilespmem:$0x1E200] =	vst v63  }
0xbe: {  	v3 =	vld [tilespmem:$0xA0];
	_ =	sdelay $0x4  }
0xbf: {  	v50 =	vshll.u32 v3, $0x7  }
0xc0: {  	v3 =	vand.u32 $0x7, v3;
	v4 =	vand.u32 $0xFFFFFC00, v50  }
0xc1: {  	v3 =	vor.u32 v3, v4  }
0xc2: {  	v4 =	vperm.xlane v3, v0;
	_ =	sdelay $0x1  }
0xc3: {  	v4 =	vadd.s32 v1, v4;
	_ =	sdelay $0x1  }
0xc4: {  	v3 =	vperm.xlane v3, v2;
	_ =	sdelay $0x1  }
0xc5: {  	s19 =	rddreg [dreg:$0xe];
	v3 =	vadd.s32 v1, v3  }
0xc6: {  	[tilespmem:s19], [sflag:$0x1] =	stream.indirect_vreg.gather [hbm4b:s4+s2], $0x80, v4, vm0, $0xb8;
	[tilespmem:$0x1E200] =	vst v63  }
0xc7: {  	s0 =	rddreg [dreg:$0xf]  }
0xc8: {  	[tilespmem:s0], [sflag:$0x1] =	stream.indirect_vreg.gather [hbm4b:s8+s2], $0x80, v4, vm0, $0xb8;
	[tilespmem:$0x1E200] =	vst v63  }
0xc9: {  	s18 =	rddreg [dreg:$0x10]  }
0xca: {  	[tilespmem:s18], [sflag:$0x1] =	stream.indirect_vreg.gather [hbm4b:s4+s2], $0x80, v3, vm0, $0xb8;
	[tilespmem:$0x1E200] =	vst v63  }
0xcb: {  	s0 =	rddreg [dreg:$0x11]  }
0xcc: {  	[tilespmem:s0], [sflag:$0x1] =	stream.indirect_vreg.gather [hbm4b:s8+s2], $0x80, v3, vm0, $0xb8;
	[tilespmem:$0x1E200] =	vst v63  }
0xcd: {  	v3 =	vld [tilespmem:$0xB0];
	_ =	sdelay $0x4  }
0xce: {  	v51 =	vshll.u32 v3, $0x7  }
0xcf: {  	v3 =	vand.u32 $0x7, v3;
	v4 =	vand.u32 $0xFFFFFC00, v51  }
0xd0: {  	v3 =	vor.u32 v3, v4  }
0xd1: {  	v4 =	vperm.xlane v3, v0;
	_ =	sdelay $0x1  }
0xd2: {  	v4 =	vadd.s32 v1, v4;
	_ =	sdelay $0x1  }
0xd3: {  	v3 =	vperm.xlane v3, v2;
	_ =	sdelay $0x1  }
0xd4: {  	s19 =	rddreg [dreg:$0x12];
	v3 =	vadd.s32 v1, v3  }
0xd5: {  	[tilespmem:s19], [sflag:$0x1] =	stream.indirect_vreg.gather [hbm4b:s4+s2], $0x80, v4, vm0, $0xb8;
	[tilespmem:$0x1E200] =	vst v63  }
0xd6: {  	s0 =	rddreg [dreg:$0x13]  }
0xd7: {  	[tilespmem:s0], [sflag:$0x1] =	stream.indirect_vreg.gather [hbm4b:s8+s2], $0x80, v4, vm0, $0xb8;
	[tilespmem:$0x1E200] =	vst v63  }
0xd8: {  	s18 =	rddreg [dreg:$0x14]  }
0xd9: {  	[tilespmem:s18], [sflag:$0x1] =	stream.indirect_vreg.gather [hbm4b:s4+s2], $0x80, v3, vm0, $0xb8;
	[tilespmem:$0x1E200] =	vst v63  }
0xda: {  	s0 =	rddreg [dreg:$0x15]  }
0xdb: {  	[tilespmem:s0], [sflag:$0x1] =	stream.indirect_vreg.gather [hbm4b:s8+s2], $0x80, v3, vm0, $0xb8;
	[tilespmem:$0x1E200] =	vst v63  }
0xdc: {  	v3 =	vld [tilespmem:$0xC0];
	_ =	sdelay $0x4  }
0xdd: {  	v52 =	vshll.u32 v3, $0x7  }
0xde: {  	v3 =	vand.u32 $0x7, v3;
	v4 =	vand.u32 $0xFFFFFC00, v52  }
0xdf: {  	v3 =	vor.u32 v3, v4  }
0xe0: {  	v4 =	vperm.xlane v3, v0;
	_ =	sdelay $0x1  }
0xe1: {  	v4 =	vadd.s32 v1, v4;
	_ =	sdelay $0x1  }
0xe2: {  	v3 =	vperm.xlane v3, v2;
	_ =	sdelay $0x1  }
0xe3: {  	s19 =	rddreg [dreg:$0x16];
	v3 =	vadd.s32 v1, v3  }
0xe4: {  	[tilespmem:s19], [sflag:$0x1] =	stream.indirect_vreg.gather [hbm4b:s4+s2], $0x80, v4, vm0, $0xb8;
	[tilespmem:$0x1E200] =	vst v63  }
0xe5: {  	s0 =	rddreg [dreg:$0x17]  }
0xe6: {  	[tilespmem:s0], [sflag:$0x1] =	stream.indirect_vreg.gather [hbm4b:s8+s2], $0x80, v4, vm0, $0xb8;
	[tilespmem:$0x1E200] =	vst v63  }
0xe7: {  	s18 =	rddreg [dreg:$0x18]  }
0xe8: {  	[tilespmem:s18], [sflag:$0x1] =	stream.indirect_vreg.gather [hbm4b:s4+s2], $0x80, v3, vm0, $0xb8;
	[tilespmem:$0x1E200] =	vst v63  }
0xe9: {  	s0 =	rddreg [dreg:$0x19]  }
0xea: {  	[tilespmem:s0], [sflag:$0x1] =	stream.indirect_vreg.gather [hbm4b:s8+s2], $0x80, v3, vm0, $0xb8;
	[tilespmem:$0x1E200] =	vst v63  }
0xeb: {  	v3 =	vld [tilespmem:$0xD0];
	_ =	sdelay $0x4  }
0xec: {  	v53 =	vshll.u32 v3, $0x7  }
0xed: {  	v3 =	vand.u32 $0x7, v3;
	v4 =	vand.u32 $0xFFFFFC00, v53  }
0xee: {  	v3 =	vor.u32 v3, v4  }
0xef: {  	v4 =	vperm.xlane v3, v0;
	_ =	sdelay $0x1  }
0xf0: {  	v4 =	vadd.s32 v1, v4;
	_ =	sdelay $0x1  }
0xf1: {  	v3 =	vperm.xlane v3, v2;
	_ =	sdelay $0x1  }
0xf2: {  	s19 =	rddreg [dreg:$0x1a];
	v3 =	vadd.s32 v1, v3  }
0xf3: {  	[tilespmem:s19], [sflag:$0x1] =	stream.indirect_vreg.gather [hbm4b:s4+s2], $0x80, v4, vm0, $0xb8;
	[tilespmem:$0x1E200] =	vst v63  }
0xf4: {  	s0 =	rddreg [dreg:$0x1b]  }
0xf5: {  	[tilespmem:s0], [sflag:$0x1] =	stream.indirect_vreg.gather [hbm4b:s8+s2], $0x80, v4, vm0, $0xb8;
	[tilespmem:$0x1E200] =	vst v63  }
0xf6: {  	s18 =	rddreg [dreg:$0x1c]  }
0xf7: {  	[tilespmem:s18], [sflag:$0x1] =	stream.indirect_vreg.gather [hbm4b:s4+s2], $0x80, v3, vm0, $0xb8;
	[tilespmem:$0x1E200] =	vst v63  }
0xf8: {  	s0 =	rddreg [dreg:$0x1d]  }
0xf9: {  	[tilespmem:s0], [sflag:$0x1] =	stream.indirect_vreg.gather [hbm4b:s8+s2], $0x80, v3, vm0, $0xb8;
	[tilespmem:$0x1E200] =	vst v63  }
0xfa: {  	v3 =	vld [tilespmem:$0xE0];
	_ =	sdelay $0x4  }
0xfb: {  	v54 =	vshll.u32 v3, $0x7  }
0xfc: {  	v3 =	vand.u32 $0x7, v3;
	v4 =	vand.u32 $0xFFFFFC00, v54  }
0xfd: {  	v3 =	vor.u32 v3, v4  }
0xfe: {  	v4 =	vperm.xlane v3, v0;
	_ =	sdelay $0x1  }
0xff: {  	v4 =	vadd.s32 v1, v4;
	_ =	sdelay $0x1  }
0x100: {  	v3 =	vperm.xlane v3, v2  }
0x101: {  	s19 =	rddreg [dreg:$0x1e]  }
0x102: {  	s18 =	sld [smem:$0x7FA];
	v3 =	vadd.s32 v1, v3  }
0x103: {  	[tilespmem:s19], [sflag:$0x1] =	stream.indirect_vreg.gather [hbm4b:s4+s2], $0x80, v4, vm0, $0xb8;
	[tilespmem:$0x1E200] =	vst v63  }
0x104: {  	s0 =	rddreg [dreg:$0x1f]  }
0x105: {  	[tilespmem:s0], [sflag:$0x1] =	stream.indirect_vreg.gather [hbm4b:s8+s2], $0x80, v4, vm0, $0xb8;
	[tilespmem:$0x1E200] =	vst v63  }
0x106: {  	s0 =	sld [smem:$0x7FB]  }
0x107: {  	[tilespmem:s18], [sflag:$0x1] =	stream.indirect_vreg.gather [hbm4b:s4+s2], $0x80, v3, vm0, $0xb8;
	[tilespmem:$0x1E200] =	vst v63  }
0x108: {  	_ = 	snop  }
0x109: {  	[tilespmem:s0], [sflag:$0x1] =	stream.indirect_vreg.gather [hbm4b:s8+s2], $0x80, v3, vm0, $0xb8;
	[tilespmem:$0x1E200] =	vst v63  }
0x10a: {  	v3 =	vld.msk [tilespmem:$0xF0], $0xff;
	_ =	sdelay $0x4  }
0x10b: {  	v55 =	vshll.u32 v3, $0x7  }
0x10c: {  	v3 =	vand.u32 $0x7, v3;
	v4 =	vand.u32 $0xFFFFFC00, v55  }
0x10d: {  	v3 =	vor.u32 v3, v4  }
0x10e: {  	v3 =	vperm.xlane v3, v0;
	_ =	sdelay $0x1  }
0x10f: {  	v3 =	vadd.s32 v1, v3;
	_ =	sdelay $0x1  }
0x110: {  	s19 =	sld [smem:$0x7FC];
	_ =	sdelay $0x1  }
0x111: {  	s0 =	sld [smem:$0x7FD]  }
0x112: {  	[tilespmem:s19], [sflag:$0x1] =	stream.indirect_vreg.gather [hbm4b:s4+s2], $0x80, v3, vm0, $0xb8;
	[tilespmem:$0x1E200] =	vst v63  }
0x113: {  	_ = 	snop  }
0x114: {  	[tilespmem:s0], [sflag:$0x1] =	stream.indirect_vreg.gather [hbm4b:s8+s2], $0x80, v3, vm0, $0xb8;
	[tilespmem:$0x1E200] =	vst v63  }
0x115: {  	_ =	swait.ge [sflag:s14], $0xF000  }
0x116: {  	s18 =	sld [smem:$0x7F9]  }
0x117: {  	[sflag:s14] =	ssyncset.done $0x0  }
0x118: {  	s19 =	simm.s32 $0x1000;
	s0 =	simm.s32 $0x20000;
	[sflag:s14] =	ssyncadd.s32 $0xFFFF1000  }
0x119: {  	[hbm4b:s18+s19] =	stream.strided.scatter [tilespmem:s1], [sflag:$0x2], $0xF000, s0, s19, $0x38;
	[tilespmem:$0x1E200] =	vst v63  }
0x11a: {  	_ =	swait.ge [sflag:s17], $0xF000  }
0x11b: {  	[sflag:s17] =	ssyncset.done $0x0  }
0x11c: {  	[sflag:s17] =	ssyncadd.s32 $0xFFFF1000  }
0x11d: {  	v3 =	vld [tilespmem:$0x100];
	_ =	sdelay $0x4  }
0x11e: {  	v56 =	vshll.u32 v3, $0x7  }
0x11f: {  	v3 =	vand.u32 $0x7, v3;
	v4 =	vand.u32 $0xFFFFFC00, v56  }
0x120: {  	v3 =	vor.u32 v3, v4  }
0x121: {  	v4 =	vperm.xlane v3, v0;
	_ =	sdelay $0x1  }
0x122: {  	v4 =	vadd.s32 v1, v4;
	_ =	sdelay $0x1  }
0x123: {  	v3 =	vperm.xlane v3, v2;
	_ =	sdelay $0x1  }
0x124: {  	v3 =	vadd.s32 v1, v3  }
0x125: {  	[tilespmem:s1], [sflag:$0x1] =	stream.indirect_vreg.gather [hbm4b:s4+s2], $0x80, v4, vm0, $0xb8;
	[tilespmem:$0x1E200] =	vst v63  }
0x126: {  	_ = 	snop  }
0x127: {  	[tilespmem:s20], [sflag:$0x1] =	stream.indirect_vreg.gather [hbm4b:s8+s2], $0x80, v4, vm0, $0xb8;
	[tilespmem:$0x1E200] =	vst v63  }
0x128: {  	_ = 	snop  }
0x129: {  	[tilespmem:s21], [sflag:$0x1] =	stream.indirect_vreg.gather [hbm4b:s4+s2], $0x80, v3, vm0, $0xb8;
	[tilespmem:$0x1E200] =	vst v63  }
0x12a: {  	_ = 	snop  }
0x12b: {  	[tilespmem:s22], [sflag:$0x1] =	stream.indirect_vreg.gather [hbm4b:s8+s2], $0x80, v3, vm0, $0xb8;
	[tilespmem:$0x1E200] =	vst v63  }
0x12c: {  	v3 =	vld [tilespmem:$0x110];
	_ =	sdelay $0x4  }
0x12d: {  	v57 =	vshll.u32 v3, $0x7  }
0x12e: {  	v3 =	vand.u32 $0x7, v3;
	v4 =	vand.u32 $0xFFFFFC00, v57  }
0x12f: {  	v3 =	vor.u32 v3, v4  }
0x130: {  	v4 =	vperm.xlane v3, v0;
	_ =	sdelay $0x1  }
0x131: {  	v4 =	vadd.s32 v1, v4;
	_ =	sdelay $0x1  }
0x132: {  	v3 =	vperm.xlane v3, v2;
	_ =	sdelay $0x1  }
0x133: {  	v3 =	vadd.s32 v1, v3  }
0x134: {  	[tilespmem:s23], [sflag:$0x1] =	stream.indirect_vreg.gather [hbm4b:s4+s2], $0x80, v4, vm0, $0xb8;
	[tilespmem:$0x1E200] =	vst v63  }
0x135: {  	_ = 	snop  }
0x136: {  	[tilespmem:s24], [sflag:$0x1] =	stream.indirect_vreg.gather [hbm4b:s8+s2], $0x80, v4, vm0, $0xb8;
	[tilespmem:$0x1E200] =	vst v63  }
0x137: {  	_ = 	snop  }
0x138: {  	[tilespmem:s25], [sflag:$0x1] =	stream.indirect_vreg.gather [hbm4b:s4+s2], $0x80, v3, vm0, $0xb8;
	[tilespmem:$0x1E200] =	vst v63  }
0x139: {  	_ = 	snop  }
0x13a: {  	[tilespmem:s26], [sflag:$0x1] =	stream.indirect_vreg.gather [hbm4b:s8+s2], $0x80, v3, vm0, $0xb8;
	[tilespmem:$0x1E200] =	vst v63  }
0x13b: {  	v3 =	vld [tilespmem:$0x120];
	_ =	sdelay $0x4  }
0x13c: {  	v58 =	vshll.u32 v3, $0x7  }
0x13d: {  	v3 =	vand.u32 $0x7, v3;
	v4 =	vand.u32 $0xFFFFFC00, v58  }
0x13e: {  	v3 =	vor.u32 v3, v4  }
0x13f: {  	v4 =	vperm.xlane v3, v0;
	_ =	sdelay $0x1  }
0x140: {  	v4 =	vadd.s32 v1, v4;
	_ =	sdelay $0x1  }
0x141: {  	v3 =	vperm.xlane v3, v2;
	_ =	sdelay $0x1  }
0x142: {  	v3 =	vadd.s32 v1, v3  }
0x143: {  	[tilespmem:s28], [sflag:$0x1] =	stream.indirect_vreg.gather [hbm4b:s4+s2], $0x80, v4, vm0, $0xb8;
	[tilespmem:$0x1E200] =	vst v63  }
0x144: {  	_ = 	snop  }
0x145: {  	[tilespmem:s29], [sflag:$0x1] =	stream.indirect_vreg.gather [hbm4b:s8+s2], $0x80, v4, vm0, $0xb8;
	[tilespmem:$0x1E200] =	vst v63  }
0x146: {  	_ = 	snop  }
0x147: {  	[tilespmem:s30], [sflag:$0x1] =	stream.indirect_vreg.gather [hbm4b:s4+s2], $0x80, v3, vm0, $0xb8;
	[tilespmem:$0x1E200] =	vst v63  }
0x148: {  	_ = 	snop  }
0x149: {  	[tilespmem:s31], [sflag:$0x1] =	stream.indirect_vreg.gather [hbm4b:s8+s2], $0x80, v3, vm0, $0xb8;
	[tilespmem:$0x1E200] =	vst v63  }
0x14a: {  	v3 =	vld [tilespmem:$0x130];
	_ =	sdelay $0x4  }
0x14b: {  	v59 =	vshll.u32 v3, $0x7  }
0x14c: {  	v3 =	vand.u32 $0x7, v3;
	v4 =	vand.u32 $0xFFFFFC00, v59  }
0x14d: {  	v3 =	vor.u32 v3, v4  }
0x14e: {  	v4 =	vperm.xlane v3, v0;
	_ =	sdelay $0x1  }
0x14f: {  	v4 =	vadd.s32 v1, v4;
	_ =	sdelay $0x1  }
0x150: {  	v3 =	vperm.xlane v3, v2;
	_ =	sdelay $0x1  }
0x151: {  	s18 =	simm.s32 $0x6200;
	v3 =	vadd.s32 v1, v3  }
0x152: {  	[tilespmem:s18], [sflag:$0x1] =	stream.indirect_vreg.gather [hbm4b:s4+s2], $0x80, v4, vm0, $0xb8;
	[tilespmem:$0x1E200] =	vst v63  }
0x153: {  	s18 =	simm.s32 $0x6A00  }
0x154: {  	[tilespmem:s18], [sflag:$0x1] =	stream.indirect_vreg.gather [hbm4b:s8+s2], $0x80, v4, vm0, $0xb8;
	[tilespmem:$0x1E200] =	vst v63  }
0x155: {  	s18 =	simm.s32 $0x7200  }
0x156: {  	[tilespmem:s18], [sflag:$0x1] =	stream.indirect_vreg.gather [hbm4b:s4+s2], $0x80, v3, vm0, $0xb8;
	[tilespmem:$0x1E200] =	vst v63  }
0x157: {  	_ = 	snop  }
0x158: {  	[tilespmem:s9], [sflag:$0x1] =	stream.indirect_vreg.gather [hbm4b:s8+s2], $0x80, v3, vm0, $0xb8;
	[tilespmem:$0x1E200] =	vst v63  }
0x159: {  	v3 =	vld [tilespmem:$0x140];
	_ =	sdelay $0x4  }
0x15a: {  	v60 =	vshll.u32 v3, $0x7  }
0x15b: {  	v3 =	vand.u32 $0x7, v3;
	v4 =	vand.u32 $0xFFFFFC00, v60  }
0x15c: {  	v3 =	vor.u32 v3, v4  }
0x15d: {  	v4 =	vperm.xlane v3, v0;
	_ =	sdelay $0x1  }
0x15e: {  	v4 =	vadd.s32 v1, v4;
	_ =	sdelay $0x1  }
0x15f: {  	v3 =	vperm.xlane v3, v2;
	_ =	sdelay $0x1  }
0x160: {  	v3 =	vadd.s32 v1, v3  }
0x161: {  	[tilespmem:s10], [sflag:$0x1] =	stream.indirect_vreg.gather [hbm4b:s4+s2], $0x80, v4, vm0, $0xb8;
	[tilespmem:$0x1E200] =	vst v63  }
0x162: {  	_ = 	snop  }
0x163: {  	[tilespmem:s11], [sflag:$0x1] =	stream.indirect_vreg.gather [hbm4b:s8+s2], $0x80, v4, vm0, $0xb8;
	[tilespmem:$0x1E200] =	vst v63  }
0x164: {  	_ = 	snop  }
0x165: {  	[tilespmem:s12], [sflag:$0x1] =	stream.indirect_vreg.gather [hbm4b:s4+s2], $0x80, v3, vm0, $0xb8;
	[tilespmem:$0x1E200] =	vst v63  }
0x166: {  	_ = 	snop  }
0x167: {  	[tilespmem:s13], [sflag:$0x1] =	stream.indirect_vreg.gather [hbm4b:s8+s2], $0x80, v3, vm0, $0xb8;
	[tilespmem:$0x1E200] =	vst v63  }
0x168: {  	v3 =	vld [tilespmem:$0x150];
	_ =	sdelay $0x4  }
0x169: {  	v61 =	vshll.u32 v3, $0x7  }
0x16a: {  	v3 =	vand.u32 $0x7, v3;
	v4 =	vand.u32 $0xFFFFFC00, v61  }
0x16b: {  	v3 =	vor.u32 v3, v4  }
0x16c: {  	v4 =	vperm.xlane v3, v0;
	_ =	sdelay $0x1  }
0x16d: {  	v4 =	vadd.s32 v1, v4;
	_ =	sdelay $0x1  }
0x16e: {  	v3 =	vperm.xlane v3, v2;
	_ =	sdelay $0x1  }
0x16f: {  	v3 =	vadd.s32 v1, v3  }
0x170: {  	[tilespmem:s6], [sflag:$0x1] =	stream.indirect_vreg.gather [hbm4b:s4+s2], $0x80, v4, vm0, $0xb8;
	[tilespmem:$0x1E200] =	vst v63  }
0x171: {  	_ = 	snop  }
0x172: {  	[tilespmem:s15], [sflag:$0x1] =	stream.indirect_vreg.gather [hbm4b:s8+s2], $0x80, v4, vm0, $0xb8;
	[tilespmem:$0x1E200] =	vst v63  }
0x173: {  	_ = 	snop  }
0x174: {  	[tilespmem:s16], [sflag:$0x1] =	stream.indirect_vreg.gather [hbm4b:s4+s2], $0x80, v3, vm0, $0xb8;
	[tilespmem:$0x1E200] =	vst v63  }
0x175: {  	_ = 	snop  }
0x176: {  	[tilespmem:s7], [sflag:$0x1] =	stream.indirect_vreg.gather [hbm4b:s8+s2], $0x80, v3, vm0, $0xb8;
	[tilespmem:$0x1E200] =	vst v63  }
0x177: {  	v3 =	vld [tilespmem:$0x160];
	_ =	sdelay $0x4  }
0x178: {  	v62 =	vshll.u32 v3, $0x7  }
0x179: {  	v3 =	vand.u32 $0x7, v3;
	v4 =	vand.u32 $0xFFFFFC00, v62  }
0x17a: {  	v3 =	vor.u32 v3, v4  }
0x17b: {  	v4 =	vperm.xlane v3, v0;
	_ =	sdelay $0x1  }
0x17c: {  	v4 =	vadd.s32 v1, v4;
	_ =	sdelay $0x1  }
0x17d: {  	v3 =	vperm.xlane v3, v2;
	_ =	sdelay $0x1  }
0x17e: {  	s18 =	simm.s32 $0xC200;
	v3 =	vadd.s32 v1, v3  }
0x17f: {  	[tilespmem:s18], [sflag:$0x1] =	stream.indirect_vreg.gather [hbm4b:s4+s2], $0x80, v4, vm0, $0xb8;
	[tilespmem:$0x1E200] =	vst v63  }
0x180: {  	s18 =	simm.s32 $0xCA00  }
0x181: {  	[tilespmem:s18], [sflag:$0x1] =	stream.indirect_vreg.gather [hbm4b:s8+s2], $0x80, v4, vm0, $0xb8;
	[tilespmem:$0x1E200] =	vst v63  }
0x182: {  	s18 =	simm.s32 $0xD200  }
0x183: {  	[tilespmem:s18], [sflag:$0x1] =	stream.indirect_vreg.gather [hbm4b:s4+s2], $0x80, v3, vm0, $0xb8;
	[tilespmem:$0x1E200] =	vst v63  }
0x184: {  	s18 =	simm.s32 $0xDA00  }
0x185: {  	[tilespmem:s18], [sflag:$0x1] =	stream.indirect_vreg.gather [hbm4b:s8+s2], $0x80, v3, vm0, $0xb8;
	[tilespmem:$0x1E200] =	vst v63  }
0x186: {  	v3 =	vld.msk [tilespmem:$0x170], $0xff;
	_ =	sdelay $0x4  }
0x187: {  	v63 =	vshll.u32 v3, $0x7  }
0x188: {  	v3 =	vand.u32 $0x7, v3;
	v4 =	vand.u32 $0xFFFFFC00, v63  }
0x189: {  	v3 =	vor.u32 v3, v4  }
0x18a: {  	v3 =	vperm.xlane v3, v0;
	_ =	sdelay $0x1  }
0x18b: {  	v3 =	vadd.s32 v1, v3;
	_ =	sdelay $0x3  }
0x18c: {  	s18 =	simm.s32 $0xE200  }
0x18d: {  	[tilespmem:s18], [sflag:$0x1] =	stream.indirect_vreg.gather [hbm4b:s4+s2], $0x80, v3, vm0, $0xb8;
	[tilespmem:$0x1E200] =	vst v63  }
0x18e: {  	s18 =	simm.s32 $0xEA00  }
0x18f: {  	[tilespmem:s18], [sflag:$0x1] =	stream.indirect_vreg.gather [hbm4b:s8+s2], $0x80, v3, vm0, $0xb8;
	[tilespmem:$0x1E200] =	vst v63  }
0x190: {  	_ =	swait.ge [sflag:s14], $0xF000  }
0x191: {  	[sflag:s14] =	ssyncset.done $0x0  }
0x192: {  	s6 =	rddreg [dreg:$0x5];
	[sflag:s14] =	ssyncadd.s32 $0xFFFF1000  }
0x193: {  	[hbm4b:s6+s19] =	stream.strided.scatter [tilespmem:s3], [sflag:$0x2], $0xF000, s0, s19, $0x38;
	[tilespmem:$0x1E200] =	vst v63  }
0x194: {  	_ =	swait.ge [sflag:s17], $0xF000  }
0x195: {  	[sflag:s17] =	ssyncset.done $0x0  }
0x196: {  	[sflag:s17] =	ssyncadd.s32 $0xFFFF1000  }
0x197: {  	_ =	swait.ge [sflag:s14], $0xF000  }
0x198: {  	p0 =	sne.s32 s5, $0x1;
	[sflag:s14] =	ssyncset.done $0x0  }
.Ltmp0:
0x199: {  	s6 =	rddreg [dreg:$0x6];
	[sflag:s14] =	ssyncadd.s32 $0xFFFF1000;
	(pc) =	sbr.rel @p0 .LBB2_1-.Ltmp0, $4  }
0x19a: {  	[hbm4b:s6+s19] =	stream.strided.scatter [tilespmem:s1], [sflag:$0x2], $0xF000, s0, s19, $0x38;
	[tilespmem:$0x1E200] =	vst v63  }
0x19b: {  	_ =	swait.ge [sflag:s17], $0xF000  }
0x19c: {  	[sflag:s17] =	ssyncset.done $0x0  }
0x19d: {  	s5 =	sadd.s32 $0xFFFFFFFF, s5;
	[sflag:s17] =	ssyncadd.s32 $0xFFFF1000  }
0x19e: {  	_ =	sfence.sel $0x180000  }
0x19f: {  	[bflag:$0x0] =	sbarrier.arrive $0xFFFF  }
0x1a0: {  	_ =	strace $0x90000047  }
0x1a1: {  	s0 =	stileid.u32;
	[bflag:$0x2] =	sbarrier.arrive $0xFFFF  }
0x1a2: {  	p0 =	sne.s32 s0, $0x0;
	s0 =	rddreg [dreg:$0x3]  }
0x1a3: {  	s0 =	sadd.s32 @!p0 $0x100000, s0  }
0x1a4: {  	[sflag:s0] =	ssyncadd.tile.s32 @!p0 $0x1;
	_ =	shalt  }
.Lfunc_end2:
_tile_overlayer_lowered:
.L_overlay_start_2:
0x1a5: {  	(tag) =	ssettag $0x2  }
0x1a6: {  	s0 =	rddreg [dreg:$0x0];
	s2 =	stileid.u32  }
0x1a7: {  	s1 =	rddreg [dreg:$0x1];
	p0 =	sne.s32 s2, $0x0  }
0x1a8: {  	s3 =	rddreg [dreg:$0x2];
	[bflag:$0x3] =	sbarrier.arrive $0xFFFF;
	s2 =	simm.s32 @!p0 $0x1C03  }
0x1a9: {  	[timem:s3], [sflag:s2] =	dma.local @!p0 [hbm:s0], s1  }
0x1aa: {  	s0 =	simm.s32 @!p0 $0x3  }
0x1ab: {  	_ =	swait.ge @!p0 [sflag:s0], s1  }
0x1ac: {  	s1 =	ssub.s32 @!p0 $0x0, s1;
	[sflag:s0] =	ssyncset.done @!p0 $0x0  }
0x1ad: {  	[sflag:s0] =	ssyncadd.s32 @!p0 s1  }
0x1ae: {  	[bflag:$0x3] =	sbarrier.arrive $0xFFFF  }
0x1af: {  	_ =	shalt  }

</sc_bundles>
